<compile_context>
chip_gen: v7x
topology: tpu7x:2x2x1
jax: 0.10.2.dev20260603
libtpu: 0.0.44.dev20260713+nightly
codegen_flags: <defaults>
</compile_context>

<pallas_src>
import functools

import numpy as np
import jax
import jax.numpy as jnp
from jax import lax
from jax.experimental import pallas as pl
from jax.experimental.pallas import tpu as pltpu
from jax.experimental.pallas import tpu_sc as plsc

B = 16384
D = 128
VOCABS = (4, 2, 2, 5, 3, 4, 4)
NF = len(VOCABS)
TOT = int(np.prod(VOCABS))
ROWS = sum(VOCABS)

STRIDES = tuple(int(np.prod(VOCABS[i + 1:])) for i in range(NF))
OFFSETS = tuple(int(sum(VOCABS[:i])) for i in range(NF))


def _build_onehot_t() -> np.ndarray:
    n = np.arange(TOT)
    u = np.zeros((ROWS, TOT), np.float32)
    for i in range(NF):
        c = (n // STRIDES[i]) % VOCABS[i]
        u[OFFSETS[i] + c, n] = 1.0
    return u.astype(jnp.bfloat16)


_UT = _build_onehot_t()


def _lut_body(u_ref, idx_ref, *rest):
    (*w_refs, t_ref, flat_ref) = rest
    u16 = u_ref[...]
    w = jnp.concatenate([r[...] for r in w_refs], axis=0)
    def _split_dot(a):
        hi = a.astype(jnp.bfloat16)
        lo = (a - hi.astype(jnp.float32)).astype(jnp.bfloat16)
        d = lambda x: lax.dot_general(x, u16, (((0,), (0,)), ((), ())),
                                      preferred_element_type=jnp.float32)
        return d(hi) + d(lo)
    s = _split_dot(w)
    q = jnp.sum(w * w, axis=1, keepdims=True)
    t = jnp.sum(s * s, axis=0, keepdims=True)
    t = t - _split_dot(q)
    t_ref[...] = jnp.squeeze(t, axis=0)
    idx = idx_ref[...]
    flat = idx[0] * STRIDES[0]
    for i in range(1, NF):
        flat = flat + idx[i] * STRIDES[i]
    flat_ref[...] = flat


def _build_lut_and_flat(idx, *ws):
    return pl.pallas_call(
        _lut_body,
        out_shape=(
            jax.ShapeDtypeStruct((TOT,), jnp.float32),
            jax.ShapeDtypeStruct((B,), jnp.int32),
        ),
    )(_UT, idx, *ws)


_NC = 1
_NS = 16
_NW = _NC * _NS
BPW = B // _NW
_L = 16


@functools.cache
def _make_fm_gather():
    mesh = plsc.VectorSubcoreMesh(
        core_axis_name="c", subcore_axis_name="s", num_cores=_NC, num_subcores=_NS
    )

    @functools.partial(
        pl.kernel,
        out_type=jax.ShapeDtypeStruct((B,), jnp.float32),
        mesh=mesh,
        compiler_params=pltpu.CompilerParams(needs_layout_passes=False),
        scratch_types=[
            pltpu.VMEM((TOT,), jnp.float32),
            pltpu.VMEM((BPW,), jnp.int32),
            pltpu.VMEM((BPW,), jnp.float32),
            pltpu.SemaphoreType.DMA,
            pltpu.SemaphoreType.DMA,
        ],
    )
    def _fm_gather(flat_hbm, lut_hbm, out_hbm, lut_v, flat_v, out_v, s_lut, s_idx):
        wid = lax.axis_index("s") * _NC + lax.axis_index("c")
        base = wid * BPW
        lut_cp = pltpu.make_async_copy(lut_hbm, lut_v, s_lut)
        flat_cp = pltpu.make_async_copy(
            flat_hbm.at[pl.ds(base, BPW)], flat_v, s_idx)
        lut_cp.start()
        flat_cp.start()
        flat_cp.wait()
        lut_cp.wait()
        for j in range(BPW // _L):
            f = flat_v[pl.ds(j * _L, _L)]
            out_v[pl.ds(j * _L, _L)] = plsc.load_gather(lut_v, [f])
        pltpu.sync_copy(out_v, out_hbm.at[pl.ds(base, BPW)])

    return _fm_gather


def kernel(input, W1, W2, W3, W4, W5, W6, W7):
    idx = input.astype(jnp.int32)
    lut, flat = _build_lut_and_flat(idx, W1, W2, W3, W4, W5, W6, W7)
    out = _make_fm_gather()(flat, lut)
    return out.reshape(B, 1)

# --- scband reference (transcript-rebuilt; emitter-appended) ---
"""Pipeline reference for scband-fm-84842783965595 (READ-ONLY COPY).

The authoritative reference and input builder live on the scoring server;
editing this copy changes nothing except your own understanding.
"""

import jax, jax.numpy as jnp
import numpy as np

B = 16384
D = 128
VOCABS = [4, 2, 2, 5, 3, 4, 4]


def setup_inputs(seed: int = 0) -> dict:
    key = jax.random.key(seed)
    k_idx, *k_ws = jax.random.split(key, 1 + 7)
    inp = jax.random.randint(k_idx, (7, B), 0, 2, dtype=jnp.int64) if jax.config.jax_enable_x64 else jax.random.randint(k_idx, (7, B), 0, 2, dtype=jnp.int32)
    out = {"input": inp}
    for i, (v, kw) in enumerate(zip(VOCABS, k_ws)):
        out[f"W{i+1}"] = jax.random.normal(kw, (v, D), dtype=jnp.float32)
    return out


def reference(input, W1, W2, W3, W4, W5, W6, W7):
    tables = [W1, W2, W3, W4, W5, W6, W7]
    embs = [jnp.take(W, input[i], axis=0) for i, W in enumerate(tables)]
    s = embs[0]
    for e in embs[1:]:
        s = s + e
    fm_out = jnp.square(s)
    for e in embs:
        fm_out = fm_out - jnp.square(e)
    inference = jnp.sum(fm_out, axis=1, keepdims=True)
    return inference

if __name__ == "__main__":
    import jax
    _d = setup_inputs()
    print(jax.jit(kernel)(*tuple(_d.values())))

</pallas_src>

<mosaic_0001>
#map = affine_map<(d0, d1) -> (0)>
module attributes {stable_mosaic.version = 14 : i64} {
  func.func @_fm_gather(%arg0: i32, %arg1: i32, %arg2: memref<16384xi32, #tpu.memory_space<hbm>>, %arg3: memref<3840xf32, #tpu.memory_space<hbm>>, %arg4: memref<16384xf32, #tpu.memory_space<hbm>>, %arg5: memref<3840xf32, #tpu.memory_space<vmem>>, %arg6: memref<1024xi32, #tpu.memory_space<vmem>>, %arg7: memref<1024xf32, #tpu.memory_space<vmem>>, %arg8: memref<!tpu.dma_semaphore, #tpu.memory_space<semaphore_mem>>, %arg9: memref<!tpu.dma_semaphore, #tpu.memory_space<semaphore_mem>>) attributes {dimension_semantics = [#tpu.dimension_semantics<core_parallel>, #tpu.dimension_semantics<subcore_parallel>], iteration_bounds = array<i64: 1, 16>, scalar_prefetch = 0 : i64, scratch_operands = 5 : i64, tpu.core_type = #tpu.core_type<sc_vector_subcore>, window_params = [{transform_indices = #map}, {transform_indices = #map}, {transform_indices = #map}]} {
    %mul3A = arith.constant 1 : i32
    %mul3A_0 = arith.muli %arg1, %mul3A : i32
    %add3A = arith.addi %mul3A_0, %arg0 : i32
    %mul3A_1 = arith.constant 1024 : i32
    %mul3A_2 = arith.muli %add3A, %mul3A_1 : i32
    tpu.enqueue_dma source(%arg3 : memref<3840xf32, #tpu.memory_space<hbm>>) target(%arg5 : memref<3840xf32, #tpu.memory_space<vmem>>) target_semaphore(%arg8 : memref<!tpu.dma_semaphore, #tpu.memory_space<semaphore_mem>>)
    %dma_start3A = tpu.memref_slice %arg2[%mul3A_2] : memref<16384xi32, #tpu.memory_space<hbm>> -> memref<1024xi32, #tpu.memory_space<hbm>>
    %dma_start3A_3 = tpu.memref_slice %arg2[%mul3A_2] : memref<16384xi32, #tpu.memory_space<hbm>> -> memref<1024xi32, #tpu.memory_space<hbm>>
    tpu.enqueue_dma source(%dma_start3A_3 : memref<1024xi32, #tpu.memory_space<hbm>>) target(%arg6 : memref<1024xi32, #tpu.memory_space<vmem>>) target_semaphore(%arg9 : memref<!tpu.dma_semaphore, #tpu.memory_space<semaphore_mem>>)
    %dma_wait3A = tpu.memref_slice %arg2[%mul3A_2] : memref<16384xi32, #tpu.memory_space<hbm>> -> memref<1024xi32, #tpu.memory_space<hbm>>
    %dma_wait3A_4 = tpu.memref_slice %arg2[%mul3A_2] : memref<16384xi32, #tpu.memory_space<hbm>> -> memref<1024xi32, #tpu.memory_space<hbm>>
    tpu.wait_dma2 semaphore(%arg9 : memref<!tpu.dma_semaphore, #tpu.memory_space<semaphore_mem>>) src(%dma_wait3A_4 : memref<1024xi32, #tpu.memory_space<hbm>>) dst(%arg6 : memref<1024xi32, #tpu.memory_space<vmem>>)
    tpu.wait_dma2 semaphore(%arg8 : memref<!tpu.dma_semaphore, #tpu.memory_space<semaphore_mem>>) src(%arg3 : memref<3840xf32, #tpu.memory_space<hbm>>) dst(%arg5 : memref<3840xf32, #tpu.memory_space<vmem>>)
    %get3A = arith.constant 0 : index
    %get3A_5 = tpu.vector_load %arg6[%get3A] {strides = array<i32>} : memref<1024xi32, #tpu.memory_space<vmem>>, vector<16xi32>,
    %gather3A = tpu.vector_load_idx %arg5[%get3A_5] : memref<3840xf32, #tpu.memory_space<vmem>>[vector<16xi32>], vector<16xf32>,
    %swap3A = arith.constant 0 : index
    %swap3A_6 = tpu.vector_load %arg7[%swap3A] {strides = array<i32>} : memref<1024xf32, #tpu.memory_space<vmem>>, vector<16xf32>,
    tpu.vector_store %arg7[%swap3A], %gather3A {strides = array<i32>} : memref<1024xf32, #tpu.memory_space<vmem>>, vector<16xf32>,
    %get3A_7 = arith.constant 16 : index
    %get3A_8 = tpu.vector_load %arg6[%get3A_7] {strides = array<i32>} : memref<1024xi32, #tpu.memory_space<vmem>>, vector<16xi32>,
    %gather3A_9 = tpu.vector_load_idx %arg5[%get3A_8] : memref<3840xf32, #tpu.memory_space<vmem>>[vector<16xi32>], vector<16xf32>,
    %swap3A_10 = arith.constant 16 : index
    %swap3A_11 = tpu.vector_load %arg7[%swap3A_10] {strides = array<i32>} : memref<1024xf32, #tpu.memory_space<vmem>>, vector<16xf32>,
    tpu.vector_store %arg7[%swap3A_10], %gather3A_9 {strides = array<i32>} : memref<1024xf32, #tpu.memory_space<vmem>>, vector<16xf32>,
    %get3A_12 = arith.constant 32 : index
    %get3A_13 = tpu.vector_load %arg6[%get3A_12] {strides = array<i32>} : memref<1024xi32, #tpu.memory_space<vmem>>, vector<16xi32>,
    %gather3A_14 = tpu.vector_load_idx %arg5[%get3A_13] : memref<3840xf32, #tpu.memory_space<vmem>>[vector<16xi32>], vector<16xf32>,
    %swap3A_15 = arith.constant 32 : index
    %swap3A_16 = tpu.vector_load %arg7[%swap3A_15] {strides = array<i32>} : memref<1024xf32, #tpu.memory_space<vmem>>, vector<16xf32>,
    tpu.vector_store %arg7[%swap3A_15], %gather3A_14 {strides = array<i32>} : memref<1024xf32, #tpu.memory_space<vmem>>, vector<16xf32>,
    %get3A_17 = arith.constant 48 : index
    %get3A_18 = tpu.vector_load %arg6[%get3A_17] {strides = array<i32>} : memref<1024xi32, #tpu.memory_space<vmem>>, vector<16xi32>,
    %gather3A_19 = tpu.vector_load_idx %arg5[%get3A_18] : memref<3840xf32, #tpu.memory_space<vmem>>[vector<16xi32>], vector<16xf32>,
    %swap3A_20 = arith.constant 48 : index
    %swap3A_21 = tpu.vector_load %arg7[%swap3A_20] {strides = array<i32>} : memref<1024xf32, #tpu.memory_space<vmem>>, vector<16xf32>,
    tpu.vector_store %arg7[%swap3A_20], %gather3A_19 {strides = array<i32>} : memref<1024xf32, #tpu.memory_space<vmem>>, vector<16xf32>,
    %get3A_22 = arith.constant 64 : index
    %get3A_23 = tpu.vector_load %arg6[%get3A_22] {strides = array<i32>} : memref<1024xi32, #tpu.memory_space<vmem>>, vector<16xi32>,
    %gather3A_24 = tpu.vector_load_idx %arg5[%get3A_23] : memref<3840xf32, #tpu.memory_space<vmem>>[vector<16xi32>], vector<16xf32>,
    %swap3A_25 = arith.constant 64 : index
    %swap3A_26 = tpu.vector_load %arg7[%swap3A_25] {strides = array<i32>} : memref<1024xf32, #tpu.memory_space<vmem>>, vector<16xf32>,
    tpu.vector_store %arg7[%swap3A_25], %gather3A_24 {strides = array<i32>} : memref<1024xf32, #tpu.memory_space<vmem>>, vector<16xf32>,
    %get3A_27 = arith.constant 80 : index
    %get3A_28 = tpu.vector_load %arg6[%get3A_27] {strides = array<i32>} : memref<1024xi32, #tpu.memory_space<vmem>>, vector<16xi32>,
    %gather3A_29 = tpu.vector_load_idx %arg5[%get3A_28] : memref<3840xf32, #tpu.memory_space<vmem>>[vector<16xi32>], vector<16xf32>,
    %swap3A_30 = arith.constant 80 : index
    %swap3A_31 = tpu.vector_load %arg7[%swap3A_30] {strides = array<i32>} : memref<1024xf32, #tpu.memory_space<vmem>>, vector<16xf32>,
    tpu.vector_store %arg7[%swap3A_30], %gather3A_29 {strides = array<i32>} : memref<1024xf32, #tpu.memory_space<vmem>>, vector<16xf32>,
    %get3A_32 = arith.constant 96 : index
    %get3A_33 = tpu.vector_load %arg6[%get3A_32] {strides = array<i32>} : memref<1024xi32, #tpu.memory_space<vmem>>, vector<16xi32>,
    %gather3A_34 = tpu.vector_load_idx %arg5[%get3A_33] : memref<3840xf32, #tpu.memory_space<vmem>>[vector<16xi32>], vector<16xf32>,
    %swap3A_35 = arith.constant 96 : index
    %swap3A_36 = tpu.vector_load %arg7[%swap3A_35] {strides = array<i32>} : memref<1024xf32, #tpu.memory_space<vmem>>, vector<16xf32>,
    tpu.vector_store %arg7[%swap3A_35], %gather3A_34 {strides = array<i32>} : memref<1024xf32, #tpu.memory_space<vmem>>, vector<16xf32>,
    %get3A_37 = arith.constant 112 : index
    %get3A_38 = tpu.vector_load %arg6[%get3A_37] {strides = array<i32>} : memref<1024xi32, #tpu.memory_space<vmem>>, vector<16xi32>,
    %gather3A_39 = tpu.vector_load_idx %arg5[%get3A_38] : memref<3840xf32, #tpu.memory_space<vmem>>[vector<16xi32>], vector<16xf32>,
    %swap3A_40 = arith.constant 112 : index
    %swap3A_41 = tpu.vector_load %arg7[%swap3A_40] {strides = array<i32>} : memref<1024xf32, #tpu.memory_space<vmem>>, vector<16xf32>,
    tpu.vector_store %arg7[%swap3A_40], %gather3A_39 {strides = array<i32>} : memref<1024xf32, #tpu.memory_space<vmem>>, vector<16xf32>,
    %get3A_42 = arith.constant 128 : index
    %get3A_43 = tpu.vector_load %arg6[%get3A_42] {strides = array<i32>} : memref<1024xi32, #tpu.memory_space<vmem>>, vector<16xi32>,
    %gather3A_44 = tpu.vector_load_idx %arg5[%get3A_43] : memref<3840xf32, #tpu.memory_space<vmem>>[vector<16xi32>], vector<16xf32>,
    %swap3A_45 = arith.constant 128 : index
    %swap3A_46 = tpu.vector_load %arg7[%swap3A_45] {strides = array<i32>} : memref<1024xf32, #tpu.memory_space<vmem>>, vector<16xf32>,
    tpu.vector_store %arg7[%swap3A_45], %gather3A_44 {strides = array<i32>} : memref<1024xf32, #tpu.memory_space<vmem>>, vector<16xf32>,
    %get3A_47 = arith.constant 144 : index
    %get3A_48 = tpu.vector_load %arg6[%get3A_47] {strides = array<i32>} : memref<1024xi32, #tpu.memory_space<vmem>>, vector<16xi32>,
    %gather3A_49 = tpu.vector_load_idx %arg5[%get3A_48] : memref<3840xf32, #tpu.memory_space<vmem>>[vector<16xi32>], vector<16xf32>,
    %swap3A_50 = arith.constant 144 : index
    %swap3A_51 = tpu.vector_load %arg7[%swap3A_50] {strides = array<i32>} : memref<1024xf32, #tpu.memory_space<vmem>>, vector<16xf32>,
    tpu.vector_store %arg7[%swap3A_50], %gather3A_49 {strides = array<i32>} : memref<1024xf32, #tpu.memory_space<vmem>>, vector<16xf32>,
    %get3A_52 = arith.constant 160 : index
    %get3A_53 = tpu.vector_load %arg6[%get3A_52] {strides = array<i32>} : memref<1024xi32, #tpu.memory_space<vmem>>, vector<16xi32>,
    %gather3A_54 = tpu.vector_load_idx %arg5[%get3A_53] : memref<3840xf32, #tpu.memory_space<vmem>>[vector<16xi32>], vector<16xf32>,
    %swap3A_55 = arith.constant 160 : index
    %swap3A_56 = tpu.vector_load %arg7[%swap3A_55] {strides = array<i32>} : memref<1024xf32, #tpu.memory_space<vmem>>, vector<16xf32>,
    tpu.vector_store %arg7[%swap3A_55], %gather3A_54 {strides = array<i32>} : memref<1024xf32, #tpu.memory_space<vmem>>, vector<16xf32>,
    %get3A_57 = arith.constant 176 : index
    %get3A_58 = tpu.vector_load %arg6[%get3A_57] {strides = array<i32>} : memref<1024xi32, #tpu.memory_space<vmem>>, vector<16xi32>,
    %gather3A_59 = tpu.vector_load_idx %arg5[%get3A_58] : memref<3840xf32, #tpu.memory_space<vmem>>[vector<16xi32>], vector<16xf32>,
    %swap3A_60 = arith.constant 176 : index
    %swap3A_61 = tpu.vector_load %arg7[%swap3A_60] {strides = array<i32>} : memref<1024xf32, #tpu.memory_space<vmem>>, vector<16xf32>,
    tpu.vector_store %arg7[%swap3A_60], %gather3A_59 {strides = array<i32>} : memref<1024xf32, #tpu.memory_space<vmem>>, vector<16xf32>,
    %get3A_62 = arith.constant 192 : index
    %get3A_63 = tpu.vector_load %arg6[%get3A_62] {strides = array<i32>} : memref<1024xi32, #tpu.memory_space<vmem>>, vector<16xi32>,
    %gather3A_64 = tpu.vector_load_idx %arg5[%get3A_63] : memref<3840xf32, #tpu.memory_space<vmem>>[vector<16xi32>], vector<16xf32>,
    %swap3A_65 = arith.constant 192 : index
    %swap3A_66 = tpu.vector_load %arg7[%swap3A_65] {strides = array<i32>} : memref<1024xf32, #tpu.memory_space<vmem>>, vector<16xf32>,
    tpu.vector_store %arg7[%swap3A_65], %gather3A_64 {strides = array<i32>} : memref<1024xf32, #tpu.memory_space<vmem>>, vector<16xf32>,
    %get3A_67 = arith.constant 208 : index
    %get3A_68 = tpu.vector_load %arg6[%get3A_67] {strides = array<i32>} : memref<1024xi32, #tpu.memory_space<vmem>>, vector<16xi32>,
    %gather3A_69 = tpu.vector_load_idx %arg5[%get3A_68] : memref<3840xf32, #tpu.memory_space<vmem>>[vector<16xi32>], vector<16xf32>,
    %swap3A_70 = arith.constant 208 : index
    %swap3A_71 = tpu.vector_load %arg7[%swap3A_70] {strides = array<i32>} : memref<1024xf32, #tpu.memory_space<vmem>>, vector<16xf32>,
    tpu.vector_store %arg7[%swap3A_70], %gather3A_69 {strides = array<i32>} : memref<1024xf32, #tpu.memory_space<vmem>>, vector<16xf32>,
    %get3A_72 = arith.constant 224 : index
    %get3A_73 = tpu.vector_load %arg6[%get3A_72] {strides = array<i32>} : memref<1024xi32, #tpu.memory_space<vmem>>, vector<16xi32>,
    %gather3A_74 = tpu.vector_load_idx %arg5[%get3A_73] : memref<3840xf32, #tpu.memory_space<vmem>>[vector<16xi32>], vector<16xf32>,
    %swap3A_75 = arith.constant 224 : index
    %swap3A_76 = tpu.vector_load %arg7[%swap3A_75] {strides = array<i32>} : memref<1024xf32, #tpu.memory_space<vmem>>, vector<16xf32>,
    tpu.vector_store %arg7[%swap3A_75], %gather3A_74 {strides = array<i32>} : memref<1024xf32, #tpu.memory_space<vmem>>, vector<16xf32>,
    %get3A_77 = arith.constant 240 : index
    %get3A_78 = tpu.vector_load %arg6[%get3A_77] {strides = array<i32>} : memref<1024xi32, #tpu.memory_space<vmem>>, vector<16xi32>,
    %gather3A_79 = tpu.vector_load_idx %arg5[%get3A_78] : memref<3840xf32, #tpu.memory_space<vmem>>[vector<16xi32>], vector<16xf32>,
    %swap3A_80 = arith.constant 240 : index
    %swap3A_81 = tpu.vector_load %arg7[%swap3A_80] {strides = array<i32>} : memref<1024xf32, #tpu.memory_space<vmem>>, vector<16xf32>,
    tpu.vector_store %arg7[%swap3A_80], %gather3A_79 {strides = array<i32>} : memref<1024xf32, #tpu.memory_space<vmem>>, vector<16xf32>,
    %get3A_82 = arith.constant 256 : index
    %get3A_83 = tpu.vector_load %arg6[%get3A_82] {strides = array<i32>} : memref<1024xi32, #tpu.memory_space<vmem>>, vector<16xi32>,
    %gather3A_84 = tpu.vector_load_idx %arg5[%get3A_83] : memref<3840xf32, #tpu.memory_space<vmem>>[vector<16xi32>], vector<16xf32>,
    %swap3A_85 = arith.constant 256 : index
    %swap3A_86 = tpu.vector_load %arg7[%swap3A_85] {strides = array<i32>} : memref<1024xf32, #tpu.memory_space<vmem>>, vector<16xf32>,
    tpu.vector_store %arg7[%swap3A_85], %gather3A_84 {strides = array<i32>} : memref<1024xf32, #tpu.memory_space<vmem>>, vector<16xf32>,
    %get3A_87 = arith.constant 272 : index
    %get3A_88 = tpu.vector_load %arg6[%get3A_87] {strides = array<i32>} : memref<1024xi32, #tpu.memory_space<vmem>>, vector<16xi32>,
    %gather3A_89 = tpu.vector_load_idx %arg5[%get3A_88] : memref<3840xf32, #tpu.memory_space<vmem>>[vector<16xi32>], vector<16xf32>,
    %swap3A_90 = arith.constant 272 : index
    %swap3A_91 = tpu.vector_load %arg7[%swap3A_90] {strides = array<i32>} : memref<1024xf32, #tpu.memory_space<vmem>>, vector<16xf32>,
    tpu.vector_store %arg7[%swap3A_90], %gather3A_89 {strides = array<i32>} : memref<1024xf32, #tpu.memory_space<vmem>>, vector<16xf32>,
    %get3A_92 = arith.constant 288 : index
    %get3A_93 = tpu.vector_load %arg6[%get3A_92] {strides = array<i32>} : memref<1024xi32, #tpu.memory_space<vmem>>, vector<16xi32>,
    %gather3A_94 = tpu.vector_load_idx %arg5[%get3A_93] : memref<3840xf32, #tpu.memory_space<vmem>>[vector<16xi32>], vector<16xf32>,
    %swap3A_95 = arith.constant 288 : index
    %swap3A_96 = tpu.vector_load %arg7[%swap3A_95] {strides = array<i32>} : memref<1024xf32, #tpu.memory_space<vmem>>, vector<16xf32>,
    tpu.vector_store %arg7[%swap3A_95], %gather3A_94 {strides = array<i32>} : memref<1024xf32, #tpu.memory_space<vmem>>, vector<16xf32>,
    %get3A_97 = arith.constant 304 : index
    %get3A_98 = tpu.vector_load %arg6[%get3A_97] {strides = array<i32>} : memref<1024xi32, #tpu.memory_space<vmem>>, vector<16xi32>,
    %gather3A_99 = tpu.vector_load_idx %arg5[%get3A_98] : memref<3840xf32, #tpu.memory_space<vmem>>[vector<16xi32>], vector<16xf32>,
    %swap3A_100 = arith.constant 304 : index
    %swap3A_101 = tpu.vector_load %arg7[%swap3A_100] {strides = array<i32>} : memref<1024xf32, #tpu.memory_space<vmem>>, vector<16xf32>,
    tpu.vector_store %arg7[%swap3A_100], %gather3A_99 {strides = array<i32>} : memref<1024xf32, #tpu.memory_space<vmem>>, vector<16xf32>,
    %get3A_102 = arith.constant 320 : index
    %get3A_103 = tpu.vector_load %arg6[%get3A_102] {strides = array<i32>} : memref<1024xi32, #tpu.memory_space<vmem>>, vector<16xi32>,
    %gather3A_104 = tpu.vector_load_idx %arg5[%get3A_103] : memref<3840xf32, #tpu.memory_space<vmem>>[vector<16xi32>], vector<16xf32>,
    %swap3A_105 = arith.constant 320 : index
    %swap3A_106 = tpu.vector_load %arg7[%swap3A_105] {strides = array<i32>} : memref<1024xf32, #tpu.memory_space<vmem>>, vector<16xf32>,
    tpu.vector_store %arg7[%swap3A_105], %gather3A_104 {strides = array<i32>} : memref<1024xf32, #tpu.memory_space<vmem>>, vector<16xf32>,
    %get3A_107 = arith.constant 336 : index
    %get3A_108 = tpu.vector_load %arg6[%get3A_107] {strides = array<i32>} : memref<1024xi32, #tpu.memory_space<vmem>>, vector<16xi32>,
    %gather3A_109 = tpu.vector_load_idx %arg5[%get3A_108] : memref<3840xf32, #tpu.memory_space<vmem>>[vector<16xi32>], vector<16xf32>,
    %swap3A_110 = arith.constant 336 : index
    %swap3A_111 = tpu.vector_load %arg7[%swap3A_110] {strides = array<i32>} : memref<1024xf32, #tpu.memory_space<vmem>>, vector<16xf32>,
    tpu.vector_store %arg7[%swap3A_110], %gather3A_109 {strides = array<i32>} : memref<1024xf32, #tpu.memory_space<vmem>>, vector<16xf32>,
    %get3A_112 = arith.constant 352 : index
    %get3A_113 = tpu.vector_load %arg6[%get3A_112] {strides = array<i32>} : memref<1024xi32, #tpu.memory_space<vmem>>, vector<16xi32>,
    %gather3A_114 = tpu.vector_load_idx %arg5[%get3A_113] : memref<3840xf32, #tpu.memory_space<vmem>>[vector<16xi32>], vector<16xf32>,
    %swap3A_115 = arith.constant 352 : index
    %swap3A_116 = tpu.vector_load %arg7[%swap3A_115] {strides = array<i32>} : memref<1024xf32, #tpu.memory_space<vmem>>, vector<16xf32>,
    tpu.vector_store %arg7[%swap3A_115], %gather3A_114 {strides = array<i32>} : memref<1024xf32, #tpu.memory_space<vmem>>, vector<16xf32>,
    %get3A_117 = arith.constant 368 : index
    %get3A_118 = tpu.vector_load %arg6[%get3A_117] {strides = array<i32>} : memref<1024xi32, #tpu.memory_space<vmem>>, vector<16xi32>,
    %gather3A_119 = tpu.vector_load_idx %arg5[%get3A_118] : memref<3840xf32, #tpu.memory_space<vmem>>[vector<16xi32>], vector<16xf32>,
    %swap3A_120 = arith.constant 368 : index
    %swap3A_121 = tpu.vector_load %arg7[%swap3A_120] {strides = array<i32>} : memref<1024xf32, #tpu.memory_space<vmem>>, vector<16xf32>,
    tpu.vector_store %arg7[%swap3A_120], %gather3A_119 {strides = array<i32>} : memref<1024xf32, #tpu.memory_space<vmem>>, vector<16xf32>,
    %get3A_122 = arith.constant 384 : index
    %get3A_123 = tpu.vector_load %arg6[%get3A_122] {strides = array<i32>} : memref<1024xi32, #tpu.memory_space<vmem>>, vector<16xi32>,
    %gather3A_124 = tpu.vector_load_idx %arg5[%get3A_123] : memref<3840xf32, #tpu.memory_space<vmem>>[vector<16xi32>], vector<16xf32>,
    %swap3A_125 = arith.constant 384 : index
    %swap3A_126 = tpu.vector_load %arg7[%swap3A_125] {strides = array<i32>} : memref<1024xf32, #tpu.memory_space<vmem>>, vector<16xf32>,
    tpu.vector_store %arg7[%swap3A_125], %gather3A_124 {strides = array<i32>} : memref<1024xf32, #tpu.memory_space<vmem>>, vector<16xf32>,
    %get3A_127 = arith.constant 400 : index
    %get3A_128 = tpu.vector_load %arg6[%get3A_127] {strides = array<i32>} : memref<1024xi32, #tpu.memory_space<vmem>>, vector<16xi32>,
    %gather3A_129 = tpu.vector_load_idx %arg5[%get3A_128] : memref<3840xf32, #tpu.memory_space<vmem>>[vector<16xi32>], vector<16xf32>,
    %swap3A_130 = arith.constant 400 : index
    %swap3A_131 = tpu.vector_load %arg7[%swap3A_130] {strides = array<i32>} : memref<1024xf32, #tpu.memory_space<vmem>>, vector<16xf32>,
    tpu.vector_store %arg7[%swap3A_130], %gather3A_129 {strides = array<i32>} : memref<1024xf32, #tpu.memory_space<vmem>>, vector<16xf32>,
    %get3A_132 = arith.constant 416 : index
    %get3A_133 = tpu.vector_load %arg6[%get3A_132] {strides = array<i32>} : memref<1024xi32, #tpu.memory_space<vmem>>, vector<16xi32>,
    %gather3A_134 = tpu.vector_load_idx %arg5[%get3A_133] : memref<3840xf32, #tpu.memory_space<vmem>>[vector<16xi32>], vector<16xf32>,
    %swap3A_135 = arith.constant 416 : index
    %swap3A_136 = tpu.vector_load %arg7[%swap3A_135] {strides = array<i32>} : memref<1024xf32, #tpu.memory_space<vmem>>, vector<16xf32>,
    tpu.vector_store %arg7[%swap3A_135], %gather3A_134 {strides = array<i32>} : memref<1024xf32, #tpu.memory_space<vmem>>, vector<16xf32>,
    %get3A_137 = arith.constant 432 : index
    %get3A_138 = tpu.vector_load %arg6[%get3A_137] {strides = array<i32>} : memref<1024xi32, #tpu.memory_space<vmem>>, vector<16xi32>,
    %gather3A_139 = tpu.vector_load_idx %arg5[%get3A_138] : memref<3840xf32, #tpu.memory_space<vmem>>[vector<16xi32>], vector<16xf32>,
    %swap3A_140 = arith.constant 432 : index
    %swap3A_141 = tpu.vector_load %arg7[%swap3A_140] {strides = array<i32>} : memref<1024xf32, #tpu.memory_space<vmem>>, vector<16xf32>,
    tpu.vector_store %arg7[%swap3A_140], %gather3A_139 {strides = array<i32>} : memref<1024xf32, #tpu.memory_space<vmem>>, vector<16xf32>,
    %get3A_142 = arith.constant 448 : index
    %get3A_143 = tpu.vector_load %arg6[%get3A_142] {strides = array<i32>} : memref<1024xi32, #tpu.memory_space<vmem>>, vector<16xi32>,
    %gather3A_144 = tpu.vector_load_idx %arg5[%get3A_143] : memref<3840xf32, #tpu.memory_space<vmem>>[vector<16xi32>], vector<16xf32>,
    %swap3A_145 = arith.constant 448 : index
    %swap3A_146 = tpu.vector_load %arg7[%swap3A_145] {strides = array<i32>} : memref<1024xf32, #tpu.memory_space<vmem>>, vector<16xf32>,
    tpu.vector_store %arg7[%swap3A_145], %gather3A_144 {strides = array<i32>} : memref<1024xf32, #tpu.memory_space<vmem>>, vector<16xf32>,
    %get3A_147 = arith.constant 464 : index
    %get3A_148 = tpu.vector_load %arg6[%get3A_147] {strides = array<i32>} : memref<1024xi32, #tpu.memory_space<vmem>>, vector<16xi32>,
    %gather3A_149 = tpu.vector_load_idx %arg5[%get3A_148] : memref<3840xf32, #tpu.memory_space<vmem>>[vector<16xi32>], vector<16xf32>,
    %swap3A_150 = arith.constant 464 : index
    %swap3A_151 = tpu.vector_load %arg7[%swap3A_150] {strides = array<i32>} : memref<1024xf32, #tpu.memory_space<vmem>>, vector<16xf32>,
    tpu.vector_store %arg7[%swap3A_150], %gather3A_149 {strides = array<i32>} : memref<1024xf32, #tpu.memory_space<vmem>>, vector<16xf32>,
    %get3A_152 = arith.constant 480 : index
    %get3A_153 = tpu.vector_load %arg6[%get3A_152] {strides = array<i32>} : memref<1024xi32, #tpu.memory_space<vmem>>, vector<16xi32>,
    %gather3A_154 = tpu.vector_load_idx %arg5[%get3A_153] : memref<3840xf32, #tpu.memory_space<vmem>>[vector<16xi32>], vector<16xf32>,
    %swap3A_155 = arith.constant 480 : index
    %swap3A_156 = tpu.vector_load %arg7[%swap3A_155] {strides = array<i32>} : memref<1024xf32, #tpu.memory_space<vmem>>, vector<16xf32>,
    tpu.vector_store %arg7[%swap3A_155], %gather3A_154 {strides = array<i32>} : memref<1024xf32, #tpu.memory_space<vmem>>, vector<16xf32>,
    %get3A_157 = arith.constant 496 : index
    %get3A_158 = tpu.vector_load %arg6[%get3A_157] {strides = array<i32>} : memref<1024xi32, #tpu.memory_space<vmem>>, vector<16xi32>,
    %gather3A_159 = tpu.vector_load_idx %arg5[%get3A_158] : memref<3840xf32, #tpu.memory_space<vmem>>[vector<16xi32>], vector<16xf32>,
    %swap3A_160 = arith.constant 496 : index
    %swap3A_161 = tpu.vector_load %arg7[%swap3A_160] {strides = array<i32>} : memref<1024xf32, #tpu.memory_space<vmem>>, vector<16xf32>,
    tpu.vector_store %arg7[%swap3A_160], %gather3A_159 {strides = array<i32>} : memref<1024xf32, #tpu.memory_space<vmem>>, vector<16xf32>,
    %get3A_162 = arith.constant 512 : index
    %get3A_163 = tpu.vector_load %arg6[%get3A_162] {strides = array<i32>} : memref<1024xi32, #tpu.memory_space<vmem>>, vector<16xi32>,
    %gather3A_164 = tpu.vector_load_idx %arg5[%get3A_163] : memref<3840xf32, #tpu.memory_space<vmem>>[vector<16xi32>], vector<16xf32>,
    %swap3A_165 = arith.constant 512 : index
    %swap3A_166 = tpu.vector_load %arg7[%swap3A_165] {strides = array<i32>} : memref<1024xf32, #tpu.memory_space<vmem>>, vector<16xf32>,
    tpu.vector_store %arg7[%swap3A_165], %gather3A_164 {strides = array<i32>} : memref<1024xf32, #tpu.memory_space<vmem>>, vector<16xf32>,
    %get3A_167 = arith.constant 528 : index
    %get3A_168 = tpu.vector_load %arg6[%get3A_167] {strides = array<i32>} : memref<1024xi32, #tpu.memory_space<vmem>>, vector<16xi32>,
    %gather3A_169 = tpu.vector_load_idx %arg5[%get3A_168] : memref<3840xf32, #tpu.memory_space<vmem>>[vector<16xi32>], vector<16xf32>,
    %swap3A_170 = arith.constant 528 : index
    %swap3A_171 = tpu.vector_load %arg7[%swap3A_170] {strides = array<i32>} : memref<1024xf32, #tpu.memory_space<vmem>>, vector<16xf32>,
    tpu.vector_store %arg7[%swap3A_170], %gather3A_169 {strides = array<i32>} : memref<1024xf32, #tpu.memory_space<vmem>>, vector<16xf32>,
    %get3A_172 = arith.constant 544 : index
    %get3A_173 = tpu.vector_load %arg6[%get3A_172] {strides = array<i32>} : memref<1024xi32, #tpu.memory_space<vmem>>, vector<16xi32>,
    %gather3A_174 = tpu.vector_load_idx %arg5[%get3A_173] : memref<3840xf32, #tpu.memory_space<vmem>>[vector<16xi32>], vector<16xf32>,
    %swap3A_175 = arith.constant 544 : index
    %swap3A_176 = tpu.vector_load %arg7[%swap3A_175] {strides = array<i32>} : memref<1024xf32, #tpu.memory_space<vmem>>, vector<16xf32>,
    tpu.vector_store %arg7[%swap3A_175], %gather3A_174 {strides = array<i32>} : memref<1024xf32, #tpu.memory_space<vmem>>, vector<16xf32>,
    %get3A_177 = arith.constant 560 : index
    %get3A_178 = tpu.vector_load %arg6[%get3A_177] {strides = array<i32>} : memref<1024xi32, #tpu.memory_space<vmem>>, vector<16xi32>,
    %gather3A_179 = tpu.vector_load_idx %arg5[%get3A_178] : memref<3840xf32, #tpu.memory_space<vmem>>[vector<16xi32>], vector<16xf32>,
    %swap3A_180 = arith.constant 560 : index
    %swap3A_181 = tpu.vector_load %arg7[%swap3A_180] {strides = array<i32>} : memref<1024xf32, #tpu.memory_space<vmem>>, vector<16xf32>,
    tpu.vector_store %arg7[%swap3A_180], %gather3A_179 {strides = array<i32>} : memref<1024xf32, #tpu.memory_space<vmem>>, vector<16xf32>,
    %get3A_182 = arith.constant 576 : index
    %get3A_183 = tpu.vector_load %arg6[%get3A_182] {strides = array<i32>} : memref<1024xi32, #tpu.memory_space<vmem>>, vector<16xi32>,
    %gather3A_184 = tpu.vector_load_idx %arg5[%get3A_183] : memref<3840xf32, #tpu.memory_space<vmem>>[vector<16xi32>], vector<16xf32>,
    %swap3A_185 = arith.constant 576 : index
    %swap3A_186 = tpu.vector_load %arg7[%swap3A_185] {strides = array<i32>} : memref<1024xf32, #tpu.memory_space<vmem>>, vector<16xf32>,
    tpu.vector_store %arg7[%swap3A_185], %gather3A_184 {strides = array<i32>} : memref<1024xf32, #tpu.memory_space<vmem>>, vector<16xf32>,
    %get3A_187 = arith.constant 592 : index
    %get3A_188 = tpu.vector_load %arg6[%get3A_187] {strides = array<i32>} : memref<1024xi32, #tpu.memory_space<vmem>>, vector<16xi32>,
    %gather3A_189 = tpu.vector_load_idx %arg5[%get3A_188] : memref<3840xf32, #tpu.memory_space<vmem>>[vector<16xi32>], vector<16xf32>,
    %swap3A_190 = arith.constant 592 : index
    %swap3A_191 = tpu.vector_load %arg7[%swap3A_190] {strides = array<i32>} : memref<1024xf32, #tpu.memory_space<vmem>>, vector<16xf32>,
    tpu.vector_store %arg7[%swap3A_190], %gather3A_189 {strides = array<i32>} : memref<1024xf32, #tpu.memory_space<vmem>>, vector<16xf32>,
    %get3A_192 = arith.constant 608 : index
    %get3A_193 = tpu.vector_load %arg6[%get3A_192] {strides = array<i32>} : memref<1024xi32, #tpu.memory_space<vmem>>, vector<16xi32>,
    %gather3A_194 = tpu.vector_load_idx %arg5[%get3A_193] : memref<3840xf32, #tpu.memory_space<vmem>>[vector<16xi32>], vector<16xf32>,
    %swap3A_195 = arith.constant 608 : index
    %swap3A_196 = tpu.vector_load %arg7[%swap3A_195] {strides = array<i32>} : memref<1024xf32, #tpu.memory_space<vmem>>, vector<16xf32>,
    tpu.vector_store %arg7[%swap3A_195], %gather3A_194 {strides = array<i32>} : memref<1024xf32, #tpu.memory_space<vmem>>, vector<16xf32>,
    %get3A_197 = arith.constant 624 : index
    %get3A_198 = tpu.vector_load %arg6[%get3A_197] {strides = array<i32>} : memref<1024xi32, #tpu.memory_space<vmem>>, vector<16xi32>,
    %gather3A_199 = tpu.vector_load_idx %arg5[%get3A_198] : memref<3840xf32, #tpu.memory_space<vmem>>[vector<16xi32>], vector<16xf32>,
    %swap3A_200 = arith.constant 624 : index
    %swap3A_201 = tpu.vector_load %arg7[%swap3A_200] {strides = array<i32>} : memref<1024xf32, #tpu.memory_space<vmem>>, vector<16xf32>,
    tpu.vector_store %arg7[%swap3A_200], %gather3A_199 {strides = array<i32>} : memref<1024xf32, #tpu.memory_space<vmem>>, vector<16xf32>,
    %get3A_202 = arith.constant 640 : index
    %get3A_203 = tpu.vector_load %arg6[%get3A_202] {strides = array<i32>} : memref<1024xi32, #tpu.memory_space<vmem>>, vector<16xi32>,
    %gather3A_204 = tpu.vector_load_idx %arg5[%get3A_203] : memref<3840xf32, #tpu.memory_space<vmem>>[vector<16xi32>], vector<16xf32>,
    %swap3A_205 = arith.constant 640 : index
    %swap3A_206 = tpu.vector_load %arg7[%swap3A_205] {strides = array<i32>} : memref<1024xf32, #tpu.memory_space<vmem>>, vector<16xf32>,
    tpu.vector_store %arg7[%swap3A_205], %gather3A_204 {strides = array<i32>} : memref<1024xf32, #tpu.memory_space<vmem>>, vector<16xf32>,
    %get3A_207 = arith.constant 656 : index
    %get3A_208 = tpu.vector_load %arg6[%get3A_207] {strides = array<i32>} : memref<1024xi32, #tpu.memory_space<vmem>>, vector<16xi32>,
    %gather3A_209 = tpu.vector_load_idx %arg5[%get3A_208] : memref<3840xf32, #tpu.memory_space<vmem>>[vector<16xi32>], vector<16xf32>,
    %swap3A_210 = arith.constant 656 : index
    %swap3A_211 = tpu.vector_load %arg7[%swap3A_210] {strides = array<i32>} : memref<1024xf32, #tpu.memory_space<vmem>>, vector<16xf32>,
    tpu.vector_store %arg7[%swap3A_210], %gather3A_209 {strides = array<i32>} : memref<1024xf32, #tpu.memory_space<vmem>>, vector<16xf32>,
    %get3A_212 = arith.constant 672 : index
    %get3A_213 = tpu.vector_load %arg6[%get3A_212] {strides = array<i32>} : memref<1024xi32, #tpu.memory_space<vmem>>, vector<16xi32>,
    %gather3A_214 = tpu.vector_load_idx %arg5[%get3A_213] : memref<3840xf32, #tpu.memory_space<vmem>>[vector<16xi32>], vector<16xf32>,
    %swap3A_215 = arith.constant 672 : index
    %swap3A_216 = tpu.vector_load %arg7[%swap3A_215] {strides = array<i32>} : memref<1024xf32, #tpu.memory_space<vmem>>, vector<16xf32>,
    tpu.vector_store %arg7[%swap3A_215], %gather3A_214 {strides = array<i32>} : memref<1024xf32, #tpu.memory_space<vmem>>, vector<16xf32>,
    %get3A_217 = arith.constant 688 : index
    %get3A_218 = tpu.vector_load %arg6[%get3A_217] {strides = array<i32>} : memref<1024xi32, #tpu.memory_space<vmem>>, vector<16xi32>,
    %gather3A_219 = tpu.vector_load_idx %arg5[%get3A_218] : memref<3840xf32, #tpu.memory_space<vmem>>[vector<16xi32>], vector<16xf32>,
    %swap3A_220 = arith.constant 688 : index
    %swap3A_221 = tpu.vector_load %arg7[%swap3A_220] {strides = array<i32>} : memref<1024xf32, #tpu.memory_space<vmem>>, vector<16xf32>,
    tpu.vector_store %arg7[%swap3A_220], %gather3A_219 {strides = array<i32>} : memref<1024xf32, #tpu.memory_space<vmem>>, vector<16xf32>,
    %get3A_222 = arith.constant 704 : index
    %get3A_223 = tpu.vector_load %arg6[%get3A_222] {strides = array<i32>} : memref<1024xi32, #tpu.memory_space<vmem>>, vector<16xi32>,
    %gather3A_224 = tpu.vector_load_idx %arg5[%get3A_223] : memref<3840xf32, #tpu.memory_space<vmem>>[vector<16xi32>], vector<16xf32>,
    %swap3A_225 = arith.constant 704 : index
    %swap3A_226 = tpu.vector_load %arg7[%swap3A_225] {strides = array<i32>} : memref<1024xf32, #tpu.memory_space<vmem>>, vector<16xf32>,
    tpu.vector_store %arg7[%swap3A_225], %gather3A_224 {strides = array<i32>} : memref<1024xf32, #tpu.memory_space<vmem>>, vector<16xf32>,
    %get3A_227 = arith.constant 720 : index
    %get3A_228 = tpu.vector_load %arg6[%get3A_227] {strides = array<i32>} : memref<1024xi32, #tpu.memory_space<vmem>>, vector<16xi32>,
    %gather3A_229 = tpu.vector_load_idx %arg5[%get3A_228] : memref<3840xf32, #tpu.memory_space<vmem>>[vector<16xi32>], vector<16xf32>,
    %swap3A_230 = arith.constant 720 : index
    %swap3A_231 = tpu.vector_load %arg7[%swap3A_230] {strides = array<i32>} : memref<1024xf32, #tpu.memory_space<vmem>>, vector<16xf32>,
    tpu.vector_store %arg7[%swap3A_230], %gather3A_229 {strides = array<i32>} : memref<1024xf32, #tpu.memory_space<vmem>>, vector<16xf32>,
    %get3A_232 = arith.constant 736 : index
    %get3A_233 = tpu.vector_load %arg6[%get3A_232] {strides = array<i32>} : memref<1024xi32, #tpu.memory_space<vmem>>, vector<16xi32>,
    %gather3A_234 = tpu.vector_load_idx %arg5[%get3A_233] : memref<3840xf32, #tpu.memory_space<vmem>>[vector<16xi32>], vector<16xf32>,
    %swap3A_235 = arith.constant 736 : index
    %swap3A_236 = tpu.vector_load %arg7[%swap3A_235] {strides = array<i32>} : memref<1024xf32, #tpu.memory_space<vmem>>, vector<16xf32>,
    tpu.vector_store %arg7[%swap3A_235], %gather3A_234 {strides = array<i32>} : memref<1024xf32, #tpu.memory_space<vmem>>, vector<16xf32>,
    %get3A_237 = arith.constant 752 : index
    %get3A_238 = tpu.vector_load %arg6[%get3A_237] {strides = array<i32>} : memref<1024xi32, #tpu.memory_space<vmem>>, vector<16xi32>,
    %gather3A_239 = tpu.vector_load_idx %arg5[%get3A_238] : memref<3840xf32, #tpu.memory_space<vmem>>[vector<16xi32>], vector<16xf32>,
    %swap3A_240 = arith.constant 752 : index
    %swap3A_241 = tpu.vector_load %arg7[%swap3A_240] {strides = array<i32>} : memref<1024xf32, #tpu.memory_space<vmem>>, vector<16xf32>,
    tpu.vector_store %arg7[%swap3A_240], %gather3A_239 {strides = array<i32>} : memref<1024xf32, #tpu.memory_space<vmem>>, vector<16xf32>,
    %get3A_242 = arith.constant 768 : index
    %get3A_243 = tpu.vector_load %arg6[%get3A_242] {strides = array<i32>} : memref<1024xi32, #tpu.memory_space<vmem>>, vector<16xi32>,
    %gather3A_244 = tpu.vector_load_idx %arg5[%get3A_243] : memref<3840xf32, #tpu.memory_space<vmem>>[vector<16xi32>], vector<16xf32>,
    %swap3A_245 = arith.constant 768 : index
    %swap3A_246 = tpu.vector_load %arg7[%swap3A_245] {strides = array<i32>} : memref<1024xf32, #tpu.memory_space<vmem>>, vector<16xf32>,
    tpu.vector_store %arg7[%swap3A_245], %gather3A_244 {strides = array<i32>} : memref<1024xf32, #tpu.memory_space<vmem>>, vector<16xf32>,
    %get3A_247 = arith.constant 784 : index
    %get3A_248 = tpu.vector_load %arg6[%get3A_247] {strides = array<i32>} : memref<1024xi32, #tpu.memory_space<vmem>>, vector<16xi32>,
    %gather3A_249 = tpu.vector_load_idx %arg5[%get3A_248] : memref<3840xf32, #tpu.memory_space<vmem>>[vector<16xi32>], vector<16xf32>,
    %swap3A_250 = arith.constant 784 : index
    %swap3A_251 = tpu.vector_load %arg7[%swap3A_250] {strides = array<i32>} : memref<1024xf32, #tpu.memory_space<vmem>>, vector<16xf32>,
    tpu.vector_store %arg7[%swap3A_250], %gather3A_249 {strides = array<i32>} : memref<1024xf32, #tpu.memory_space<vmem>>, vector<16xf32>,
    %get3A_252 = arith.constant 800 : index
    %get3A_253 = tpu.vector_load %arg6[%get3A_252] {strides = array<i32>} : memref<1024xi32, #tpu.memory_space<vmem>>, vector<16xi32>,
    %gather3A_254 = tpu.vector_load_idx %arg5[%get3A_253] : memref<3840xf32, #tpu.memory_space<vmem>>[vector<16xi32>], vector<16xf32>,
    %swap3A_255 = arith.constant 800 : index
    %swap3A_256 = tpu.vector_load %arg7[%swap3A_255] {strides = array<i32>} : memref<1024xf32, #tpu.memory_space<vmem>>, vector<16xf32>,
    tpu.vector_store %arg7[%swap3A_255], %gather3A_254 {strides = array<i32>} : memref<1024xf32, #tpu.memory_space<vmem>>, vector<16xf32>,
    %get3A_257 = arith.constant 816 : index
    %get3A_258 = tpu.vector_load %arg6[%get3A_257] {strides = array<i32>} : memref<1024xi32, #tpu.memory_space<vmem>>, vector<16xi32>,
    %gather3A_259 = tpu.vector_load_idx %arg5[%get3A_258] : memref<3840xf32, #tpu.memory_space<vmem>>[vector<16xi32>], vector<16xf32>,
    %swap3A_260 = arith.constant 816 : index
    %swap3A_261 = tpu.vector_load %arg7[%swap3A_260] {strides = array<i32>} : memref<1024xf32, #tpu.memory_space<vmem>>, vector<16xf32>,
    tpu.vector_store %arg7[%swap3A_260], %gather3A_259 {strides = array<i32>} : memref<1024xf32, #tpu.memory_space<vmem>>, vector<16xf32>,
    %get3A_262 = arith.constant 832 : index
    %get3A_263 = tpu.vector_load %arg6[%get3A_262] {strides = array<i32>} : memref<1024xi32, #tpu.memory_space<vmem>>, vector<16xi32>,
    %gather3A_264 = tpu.vector_load_idx %arg5[%get3A_263] : memref<3840xf32, #tpu.memory_space<vmem>>[vector<16xi32>], vector<16xf32>,
    %swap3A_265 = arith.constant 832 : index
    %swap3A_266 = tpu.vector_load %arg7[%swap3A_265] {strides = array<i32>} : memref<1024xf32, #tpu.memory_space<vmem>>, vector<16xf32>,
    tpu.vector_store %arg7[%swap3A_265], %gather3A_264 {strides = array<i32>} : memref<1024xf32, #tpu.memory_space<vmem>>, vector<16xf32>,
    %get3A_267 = arith.constant 848 : index
    %get3A_268 = tpu.vector_load %arg6[%get3A_267] {strides = array<i32>} : memref<1024xi32, #tpu.memory_space<vmem>>, vector<16xi32>,
    %gather3A_269 = tpu.vector_load_idx %arg5[%get3A_268] : memref<3840xf32, #tpu.memory_space<vmem>>[vector<16xi32>], vector<16xf32>,
    %swap3A_270 = arith.constant 848 : index
    %swap3A_271 = tpu.vector_load %arg7[%swap3A_270] {strides = array<i32>} : memref<1024xf32, #tpu.memory_space<vmem>>, vector<16xf32>,
    tpu.vector_store %arg7[%swap3A_270], %gather3A_269 {strides = array<i32>} : memref<1024xf32, #tpu.memory_space<vmem>>, vector<16xf32>,
    %get3A_272 = arith.constant 864 : index
    %get3A_273 = tpu.vector_load %arg6[%get3A_272] {strides = array<i32>} : memref<1024xi32, #tpu.memory_space<vmem>>, vector<16xi32>,
    %gather3A_274 = tpu.vector_load_idx %arg5[%get3A_273] : memref<3840xf32, #tpu.memory_space<vmem>>[vector<16xi32>], vector<16xf32>,
    %swap3A_275 = arith.constant 864 : index
    %swap3A_276 = tpu.vector_load %arg7[%swap3A_275] {strides = array<i32>} : memref<1024xf32, #tpu.memory_space<vmem>>, vector<16xf32>,
    tpu.vector_store %arg7[%swap3A_275], %gather3A_274 {strides = array<i32>} : memref<1024xf32, #tpu.memory_space<vmem>>, vector<16xf32>,
    %get3A_277 = arith.constant 880 : index
    %get3A_278 = tpu.vector_load %arg6[%get3A_277] {strides = array<i32>} : memref<1024xi32, #tpu.memory_space<vmem>>, vector<16xi32>,
    %gather3A_279 = tpu.vector_load_idx %arg5[%get3A_278] : memref<3840xf32, #tpu.memory_space<vmem>>[vector<16xi32>], vector<16xf32>,
    %swap3A_280 = arith.constant 880 : index
    %swap3A_281 = tpu.vector_load %arg7[%swap3A_280] {strides = array<i32>} : memref<1024xf32, #tpu.memory_space<vmem>>, vector<16xf32>,
    tpu.vector_store %arg7[%swap3A_280], %gather3A_279 {strides = array<i32>} : memref<1024xf32, #tpu.memory_space<vmem>>, vector<16xf32>,
    %get3A_282 = arith.constant 896 : index
    %get3A_283 = tpu.vector_load %arg6[%get3A_282] {strides = array<i32>} : memref<1024xi32, #tpu.memory_space<vmem>>, vector<16xi32>,
    %gather3A_284 = tpu.vector_load_idx %arg5[%get3A_283] : memref<3840xf32, #tpu.memory_space<vmem>>[vector<16xi32>], vector<16xf32>,
    %swap3A_285 = arith.constant 896 : index
    %swap3A_286 = tpu.vector_load %arg7[%swap3A_285] {strides = array<i32>} : memref<1024xf32, #tpu.memory_space<vmem>>, vector<16xf32>,
    tpu.vector_store %arg7[%swap3A_285], %gather3A_284 {strides = array<i32>} : memref<1024xf32, #tpu.memory_space<vmem>>, vector<16xf32>,
    %get3A_287 = arith.constant 912 : index
    %get3A_288 = tpu.vector_load %arg6[%get3A_287] {strides = array<i32>} : memref<1024xi32, #tpu.memory_space<vmem>>, vector<16xi32>,
    %gather3A_289 = tpu.vector_load_idx %arg5[%get3A_288] : memref<3840xf32, #tpu.memory_space<vmem>>[vector<16xi32>], vector<16xf32>,
    %swap3A_290 = arith.constant 912 : index
    %swap3A_291 = tpu.vector_load %arg7[%swap3A_290] {strides = array<i32>} : memref<1024xf32, #tpu.memory_space<vmem>>, vector<16xf32>,
    tpu.vector_store %arg7[%swap3A_290], %gather3A_289 {strides = array<i32>} : memref<1024xf32, #tpu.memory_space<vmem>>, vector<16xf32>,
    %get3A_292 = arith.constant 928 : index
    %get3A_293 = tpu.vector_load %arg6[%get3A_292] {strides = array<i32>} : memref<1024xi32, #tpu.memory_space<vmem>>, vector<16xi32>,
    %gather3A_294 = tpu.vector_load_idx %arg5[%get3A_293] : memref<3840xf32, #tpu.memory_space<vmem>>[vector<16xi32>], vector<16xf32>,
    %swap3A_295 = arith.constant 928 : index
    %swap3A_296 = tpu.vector_load %arg7[%swap3A_295] {strides = array<i32>} : memref<1024xf32, #tpu.memory_space<vmem>>, vector<16xf32>,
    tpu.vector_store %arg7[%swap3A_295], %gather3A_294 {strides = array<i32>} : memref<1024xf32, #tpu.memory_space<vmem>>, vector<16xf32>,
    %get3A_297 = arith.constant 944 : index
    %get3A_298 = tpu.vector_load %arg6[%get3A_297] {strides = array<i32>} : memref<1024xi32, #tpu.memory_space<vmem>>, vector<16xi32>,
    %gather3A_299 = tpu.vector_load_idx %arg5[%get3A_298] : memref<3840xf32, #tpu.memory_space<vmem>>[vector<16xi32>], vector<16xf32>,
    %swap3A_300 = arith.constant 944 : index
    %swap3A_301 = tpu.vector_load %arg7[%swap3A_300] {strides = array<i32>} : memref<1024xf32, #tpu.memory_space<vmem>>, vector<16xf32>,
    tpu.vector_store %arg7[%swap3A_300], %gather3A_299 {strides = array<i32>} : memref<1024xf32, #tpu.memory_space<vmem>>, vector<16xf32>,
    %get3A_302 = arith.constant 960 : index
    %get3A_303 = tpu.vector_load %arg6[%get3A_302] {strides = array<i32>} : memref<1024xi32, #tpu.memory_space<vmem>>, vector<16xi32>,
    %gather3A_304 = tpu.vector_load_idx %arg5[%get3A_303] : memref<3840xf32, #tpu.memory_space<vmem>>[vector<16xi32>], vector<16xf32>,
    %swap3A_305 = arith.constant 960 : index
    %swap3A_306 = tpu.vector_load %arg7[%swap3A_305] {strides = array<i32>} : memref<1024xf32, #tpu.memory_space<vmem>>, vector<16xf32>,
    tpu.vector_store %arg7[%swap3A_305], %gather3A_304 {strides = array<i32>} : memref<1024xf32, #tpu.memory_space<vmem>>, vector<16xf32>,
    %get3A_307 = arith.constant 976 : index
    %get3A_308 = tpu.vector_load %arg6[%get3A_307] {strides = array<i32>} : memref<1024xi32, #tpu.memory_space<vmem>>, vector<16xi32>,
    %gather3A_309 = tpu.vector_load_idx %arg5[%get3A_308] : memref<3840xf32, #tpu.memory_space<vmem>>[vector<16xi32>], vector<16xf32>,
    %swap3A_310 = arith.constant 976 : index
    %swap3A_311 = tpu.vector_load %arg7[%swap3A_310] {strides = array<i32>} : memref<1024xf32, #tpu.memory_space<vmem>>, vector<16xf32>,
    tpu.vector_store %arg7[%swap3A_310], %gather3A_309 {strides = array<i32>} : memref<1024xf32, #tpu.memory_space<vmem>>, vector<16xf32>,
    %get3A_312 = arith.constant 992 : index
    %get3A_313 = tpu.vector_load %arg6[%get3A_312] {strides = array<i32>} : memref<1024xi32, #tpu.memory_space<vmem>>, vector<16xi32>,
    %gather3A_314 = tpu.vector_load_idx %arg5[%get3A_313] : memref<3840xf32, #tpu.memory_space<vmem>>[vector<16xi32>], vector<16xf32>,
    %swap3A_315 = arith.constant 992 : index
    %swap3A_316 = tpu.vector_load %arg7[%swap3A_315] {strides = array<i32>} : memref<1024xf32, #tpu.memory_space<vmem>>, vector<16xf32>,
    tpu.vector_store %arg7[%swap3A_315], %gather3A_314 {strides = array<i32>} : memref<1024xf32, #tpu.memory_space<vmem>>, vector<16xf32>,
    %get3A_317 = arith.constant 1008 : index
    %get3A_318 = tpu.vector_load %arg6[%get3A_317] {strides = array<i32>} : memref<1024xi32, #tpu.memory_space<vmem>>, vector<16xi32>,
    %gather3A_319 = tpu.vector_load_idx %arg5[%get3A_318] : memref<3840xf32, #tpu.memory_space<vmem>>[vector<16xi32>], vector<16xf32>,
    %swap3A_320 = arith.constant 1008 : index
    %swap3A_321 = tpu.vector_load %arg7[%swap3A_320] {strides = array<i32>} : memref<1024xf32, #tpu.memory_space<vmem>>, vector<16xf32>,
    tpu.vector_store %arg7[%swap3A_320], %gather3A_319 {strides = array<i32>} : memref<1024xf32, #tpu.memory_space<vmem>>, vector<16xf32>,
    "tpu.region"() ({
      %run_scoped3A = tpu.sem_alloc : memref<!tpu.dma_semaphore, #tpu.memory_space<semaphore_mem>>
      %dma_start3A_322 = tpu.memref_slice %arg4[%mul3A_2] : memref<16384xf32, #tpu.memory_space<hbm>> -> memref<1024xf32, #tpu.memory_space<hbm>>
      %dma_start3A_323 = tpu.memref_slice %arg4[%mul3A_2] : memref<16384xf32, #tpu.memory_space<hbm>> -> memref<1024xf32, #tpu.memory_space<hbm>>
      tpu.enqueue_dma source(%arg7 : memref<1024xf32, #tpu.memory_space<vmem>>) target(%dma_start3A_323 : memref<1024xf32, #tpu.memory_space<hbm>>) target_semaphore(%run_scoped3A : memref<!tpu.dma_semaphore, #tpu.memory_space<semaphore_mem>>)
      %dma_wait3A_324 = tpu.memref_slice %arg4[%mul3A_2] : memref<16384xf32, #tpu.memory_space<hbm>> -> memref<1024xf32, #tpu.memory_space<hbm>>
      %dma_wait3A_325 = tpu.memref_slice %arg4[%mul3A_2] : memref<16384xf32, #tpu.memory_space<hbm>> -> memref<1024xf32, #tpu.memory_space<hbm>>
      tpu.wait_dma2 semaphore(%run_scoped3A : memref<!tpu.dma_semaphore, #tpu.memory_space<semaphore_mem>>) src(%arg7 : memref<1024xf32, #tpu.memory_space<vmem>>) dst(%dma_wait3A_325 : memref<1024xf32, #tpu.memory_space<hbm>>)
      tpu.yield
    }) : () -> ()
    return
  }
}

module attributes {stable_mosaic.version = 14 : i64} {
  func.func @_lut_body(%arg0: memref<24x3840xbf16, #tpu.memory_space<vmem>>, %arg1: memref<7x16384xi32, #tpu.memory_space<vmem>>, %arg2: memref<4x128xf32, #tpu.memory_space<vmem>>, %arg3: memref<2x128xf32, #tpu.memory_space<vmem>>, %arg4: memref<2x128xf32, #tpu.memory_space<vmem>>, %arg5: memref<5x128xf32, #tpu.memory_space<vmem>>, %arg6: memref<3x128xf32, #tpu.memory_space<vmem>>, %arg7: memref<4x128xf32, #tpu.memory_space<vmem>>, %arg8: memref<4x128xf32, #tpu.memory_space<vmem>>, %arg9: memref<3840xf32, #tpu.memory_space<vmem>>, %arg10: memref<16384xi32, #tpu.memory_space<vmem>>) attributes {dimension_semantics = [], scalar_prefetch = 0 : i64, scratch_operands = 0 : i64, tpu.core_type = #tpu.core_type<tc>} {
    %get3A = arith.constant 0 : index
    %get3A_0 = arith.constant 0 : index
    %get3A_1 = vector.load %arg0[%get3A, %get3A_0] : memref<24x3840xbf16, #tpu.memory_space<vmem>>, vector<24x3840xbf16>
    %get3A_2 = arith.constant 0 : index
    %get3A_3 = arith.constant 0 : index
    %get3A_4 = vector.load %arg2[%get3A_2, %get3A_3] : memref<4x128xf32, #tpu.memory_space<vmem>>, vector<4x128xf32>
    %get3A_5 = arith.constant 0 : index
    %get3A_6 = arith.constant 0 : index
    %get3A_7 = vector.load %arg3[%get3A_5, %get3A_6] : memref<2x128xf32, #tpu.memory_space<vmem>>, vector<2x128xf32>
    %get3A_8 = arith.constant 0 : index
    %get3A_9 = arith.constant 0 : index
    %get3A_10 = vector.load %arg4[%get3A_8, %get3A_9] : memref<2x128xf32, #tpu.memory_space<vmem>>, vector<2x128xf32>
    %get3A_11 = arith.constant 0 : index
    %get3A_12 = arith.constant 0 : index
    %get3A_13 = vector.load %arg5[%get3A_11, %get3A_12] : memref<5x128xf32, #tpu.memory_space<vmem>>, vector<5x128xf32>
    %get3A_14 = arith.constant 0 : index
    %get3A_15 = arith.constant 0 : index
    %get3A_16 = vector.load %arg6[%get3A_14, %get3A_15] : memref<3x128xf32, #tpu.memory_space<vmem>>, vector<3x128xf32>
    %get3A_17 = arith.constant 0 : index
    %get3A_18 = arith.constant 0 : index
    %get3A_19 = vector.load %arg7[%get3A_17, %get3A_18] : memref<4x128xf32, #tpu.memory_space<vmem>>, vector<4x128xf32>
    %get3A_20 = arith.constant 0 : index
    %get3A_21 = arith.constant 0 : index
    %get3A_22 = vector.load %arg8[%get3A_20, %get3A_21] : memref<4x128xf32, #tpu.memory_space<vmem>>, vector<4x128xf32>
    %concatenate3A = tpu.concatenate %get3A_4, %get3A_7, %get3A_10, %get3A_13, %get3A_16, %get3A_19, %get3A_22 in 0 : vector<4x128xf32>, vector<2x128xf32>, vector<2x128xf32>, vector<5x128xf32>, vector<3x128xf32>, vector<4x128xf32>, vector<4x128xf32> -> vector<24x128xf32>
    %convert_element_type3A = arith.truncf %concatenate3A : vector<24x128xf32> to vector<24x128xbf16>
    %convert_element_type3A_23 = arith.extf %convert_element_type3A : vector<24x128xbf16> to vector<24x128xf32>
    %sub3A = arith.subf %concatenate3A, %convert_element_type3A_23 : vector<24x128xf32>
    %convert_element_type3A_24 = arith.truncf %sub3A : vector<24x128xf32> to vector<24x128xbf16>
    %dot_general3A = arith.constant dense<0.000000e+00> : vector<128x3840xf32>
    %dot_general3A_25 = tpu.matmul %convert_element_type3A, %get3A_1, %dot_general3A {dimension_numbers = #tpu.dot_dimension_numbers<[0], [0], [1], [1], [0, 1, 1, 1], [], []>, transpose_lhs_hint = false} : vector<24x128xbf16>, vector<24x3840xbf16>, vector<128x3840xf32> -> vector<128x3840xf32>
    %dot_general3A_26 = arith.constant dense<0.000000e+00> : vector<128x3840xf32>
    %dot_general3A_27 = tpu.matmul %convert_element_type3A_24, %get3A_1, %dot_general3A_26 {dimension_numbers = #tpu.dot_dimension_numbers<[0], [0], [1], [1], [0, 1, 1, 1], [], []>, transpose_lhs_hint = false} : vector<24x128xbf16>, vector<24x3840xbf16>, vector<128x3840xf32> -> vector<128x3840xf32>
    %add3A = arith.addf %dot_general3A_25, %dot_general3A_27 : vector<128x3840xf32>
    %mul3A = arith.mulf %concatenate3A, %concatenate3A : vector<24x128xf32>
    %reduce_sum3A = arith.constant dense<0.000000e+00> : vector<24xf32>
    %reduce_sum3A_28 = vector.multi_reduction <add>, %mul3A, %reduce_sum3A [1] : vector<24x128xf32> to vector<24xf32>
    %broadcast_in_dim3A = vector.shape_cast %reduce_sum3A_28 : vector<24xf32> to vector<24x1xf32>
    %mul3A_29 = arith.mulf %add3A, %add3A : vector<128x3840xf32>
    %reduce_sum3A_30 = arith.constant dense<0.000000e+00> : vector<3840xf32>
    %reduce_sum3A_31 = vector.multi_reduction <add>, %mul3A_29, %reduce_sum3A_30 [0] : vector<128x3840xf32> to vector<3840xf32>
    %broadcast_in_dim3A_32 = vector.shape_cast %reduce_sum3A_31 : vector<3840xf32> to vector<1x3840xf32>
    %convert_element_type3A_33 = arith.truncf %broadcast_in_dim3A : vector<24x1xf32> to vector<24x1xbf16>
    %convert_element_type3A_34 = arith.extf %convert_element_type3A_33 : vector<24x1xbf16> to vector<24x1xf32>
    %sub3A_35 = arith.subf %broadcast_in_dim3A, %convert_element_type3A_34 : vector<24x1xf32>
    %convert_element_type3A_36 = arith.truncf %sub3A_35 : vector<24x1xf32> to vector<24x1xbf16>
    %dot_general3A_37 = arith.constant dense<0.000000e+00> : vector<1x3840xf32>
    %dot_general3A_38 = tpu.matmul %convert_element_type3A_33, %get3A_1, %dot_general3A_37 {dimension_numbers = #tpu.dot_dimension_numbers<[0], [0], [1], [1], [0, 1, 1, 1], [], []>, transpose_lhs_hint = false} : vector<24x1xbf16>, vector<24x3840xbf16>, vector<1x3840xf32> -> vector<1x3840xf32>
    %dot_general3A_39 = arith.constant dense<0.000000e+00> : vector<1x3840xf32>
    %dot_general3A_40 = tpu.matmul %convert_element_type3A_36, %get3A_1, %dot_general3A_39 {dimension_numbers = #tpu.dot_dimension_numbers<[0], [0], [1], [1], [0, 1, 1, 1], [], []>, transpose_lhs_hint = false} : vector<24x1xbf16>, vector<24x3840xbf16>, vector<1x3840xf32> -> vector<1x3840xf32>
    %add3A_41 = arith.addf %dot_general3A_38, %dot_general3A_40 : vector<1x3840xf32>
    %sub3A_42 = arith.subf %broadcast_in_dim3A_32, %add3A_41 : vector<1x3840xf32>
    %squeeze3A = vector.shape_cast %sub3A_42 : vector<1x3840xf32> to vector<3840xf32>
    %swap3A = arith.constant 0 : index
    %swap3A_43 = vector.load %arg9[%swap3A] : memref<3840xf32, #tpu.memory_space<vmem>>, vector<3840xf32>
    tpu.vector_store %arg9[%swap3A], %squeeze3A {strides = array<i32>} : memref<3840xf32, #tpu.memory_space<vmem>>, vector<3840xf32>,
    %get3A_44 = arith.constant 0 : index
    %get3A_45 = arith.constant 0 : index
    %get3A_46 = vector.load %arg1[%get3A_44, %get3A_45] : memref<7x16384xi32, #tpu.memory_space<vmem>>, vector<7x16384xi32>
    %slice3A = vector.extract_strided_slice %get3A_46 {offsets = [0, 0], sizes = [1, 16384], strides = [1, 1]} : vector<7x16384xi32> to vector<1x16384xi32>
    %squeeze3A_47 = vector.shape_cast %slice3A : vector<1x16384xi32> to vector<16384xi32>
    %mul3A_48 = arith.constant 960 : i32
    %mul3A_49 = vector.broadcast %mul3A_48 : i32 to vector<16384xi32>
    %mul3A_50 = arith.muli %squeeze3A_47, %mul3A_49 : vector<16384xi32>
    %slice3A_51 = vector.extract_strided_slice %get3A_46 {offsets = [1, 0], sizes = [1, 16384], strides = [1, 1]} : vector<7x16384xi32> to vector<1x16384xi32>
    %squeeze3A_52 = vector.shape_cast %slice3A_51 : vector<1x16384xi32> to vector<16384xi32>
    %mul3A_53 = arith.constant 480 : i32
    %mul3A_54 = vector.broadcast %mul3A_53 : i32 to vector<16384xi32>
    %mul3A_55 = arith.muli %squeeze3A_52, %mul3A_54 : vector<16384xi32>
    %add3A_56 = arith.addi %mul3A_50, %mul3A_55 : vector<16384xi32>
    %slice3A_57 = vector.extract_strided_slice %get3A_46 {offsets = [2, 0], sizes = [1, 16384], strides = [1, 1]} : vector<7x16384xi32> to vector<1x16384xi32>
    %squeeze3A_58 = vector.shape_cast %slice3A_57 : vector<1x16384xi32> to vector<16384xi32>
    %mul3A_59 = arith.constant 240 : i32
    %mul3A_60 = vector.broadcast %mul3A_59 : i32 to vector<16384xi32>
    %mul3A_61 = arith.muli %squeeze3A_58, %mul3A_60 : vector<16384xi32>
    %add3A_62 = arith.addi %add3A_56, %mul3A_61 : vector<16384xi32>
    %slice3A_63 = vector.extract_strided_slice %get3A_46 {offsets = [3, 0], sizes = [1, 16384], strides = [1, 1]} : vector<7x16384xi32> to vector<1x16384xi32>
    %squeeze3A_64 = vector.shape_cast %slice3A_63 : vector<1x16384xi32> to vector<16384xi32>
    %mul3A_65 = arith.constant 48 : i32
    %mul3A_66 = vector.broadcast %mul3A_65 : i32 to vector<16384xi32>
    %mul3A_67 = arith.muli %squeeze3A_64, %mul3A_66 : vector<16384xi32>
    %add3A_68 = arith.addi %add3A_62, %mul3A_67 : vector<16384xi32>
    %slice3A_69 = vector.extract_strided_slice %get3A_46 {offsets = [4, 0], sizes = [1, 16384], strides = [1, 1]} : vector<7x16384xi32> to vector<1x16384xi32>
    %squeeze3A_70 = vector.shape_cast %slice3A_69 : vector<1x16384xi32> to vector<16384xi32>
    %mul3A_71 = arith.constant 16 : i32
    %mul3A_72 = vector.broadcast %mul3A_71 : i32 to vector<16384xi32>
    %mul3A_73 = arith.muli %squeeze3A_70, %mul3A_72 : vector<16384xi32>
    %add3A_74 = arith.addi %add3A_68, %mul3A_73 : vector<16384xi32>
    %slice3A_75 = vector.extract_strided_slice %get3A_46 {offsets = [5, 0], sizes = [1, 16384], strides = [1, 1]} : vector<7x16384xi32> to vector<1x16384xi32>
    %squeeze3A_76 = vector.shape_cast %slice3A_75 : vector<1x16384xi32> to vector<16384xi32>
    %mul3A_77 = arith.constant 4 : i32
    %mul3A_78 = vector.broadcast %mul3A_77 : i32 to vector<16384xi32>
    %mul3A_79 = arith.muli %squeeze3A_76, %mul3A_78 : vector<16384xi32>
    %add3A_80 = arith.addi %add3A_74, %mul3A_79 : vector<16384xi32>
    %slice3A_81 = vector.extract_strided_slice %get3A_46 {offsets = [6, 0], sizes = [1, 16384], strides = [1, 1]} : vector<7x16384xi32> to vector<1x16384xi32>
    %squeeze3A_82 = vector.shape_cast %slice3A_81 : vector<1x16384xi32> to vector<16384xi32>
    %mul3A_83 = arith.constant 1 : i32
    %mul3A_84 = vector.broadcast %mul3A_83 : i32 to vector<16384xi32>
    %mul3A_85 = arith.muli %squeeze3A_82, %mul3A_84 : vector<16384xi32>
    %add3A_86 = arith.addi %add3A_80, %mul3A_85 : vector<16384xi32>
    %swap3A_87 = arith.constant 0 : index
    %swap3A_88 = vector.load %arg10[%swap3A_87] : memref<16384xi32, #tpu.memory_space<vmem>>, vector<16384xi32>
    tpu.vector_store %arg10[%swap3A_87], %add3A_86 {strides = array<i32>} : memref<16384xi32, #tpu.memory_space<vmem>>, vector<16384xi32>,
    return
  }
}

</mosaic_0001>

<sc_bundles>
// kernel: kernel.4.cloned.1.call-start
scs
__scs_entry_jumppad:
0x0: {  	(pc) =	sbr.rel $0x88, $3  }
0x1: {  	(tag) =	ssettag $0x0;
	lr =	simm.s32 $0x1  }
0x2: {  	[smem:$0x3F99] =	sst lr;
	_ =	strace $0xD0000000  }
0x3: {  	_ = 	snop  }
0x4: {  	_ = 	snop  }
0x5: {  	_ = 	snop  }
0x6: {  	_ = 	snop  }
0x7: {  	_ = 	snop  }
__scs_overlays_trampoline_lowered:
0x8: {  	[smem:$0x3FA8] =	sst s0  }
0x9: {  	[smem:$0x3FA9] =	sst s1  }
0xa: {  	[smem:$0x3FAA] =	sst s2  }
0xb: {  	[smem:$0x3FAB] =	sst s3  }
0xc: {  	[smem:$0x3FAC] =	sst s4  }
0xd: {  	[smem:$0x3FAD] =	sst s5  }
0xe: {  	[smem:$0x3FAE] =	sst s6  }
0xf: {  	[smem:$0x3FAF] =	sst s7  }
0x10: {  	[smem:$0x3FB0] =	sst s8  }
0x11: {  	[smem:$0x3FB1] =	sst s9;
	s0 =	simm.s32 @!p0 $0x0  }
0x12: {  	s1 =	sld [smem:$0x3F97];
	s0 =	simm.s32 @p0 $0x1  }
0x13: {  	[smem:$0x3FB2] =	sst s0;
	s0 =	simm.s32 @!p1 $0x0  }
0x14: {  	s2 =	sld [smem:$0x3F96];
	s0 =	simm.s32 @p1 $0x1  }
0x15: {  	[smem:$0x3FB3] =	sst s0;
	s0 =	simm.s32 @!p2 $0x0  }
0x16: {  	s3 =	sld [smem:$0x3FDB];
	s0 =	simm.s32 @p2 $0x1  }
0x17: {  	s4 =	simm.s32 $0x1BF5;
	[smem:$0x3FB5] =	sst s0  }
0x18: {  	s0 =	sld [smem:$0x3F98];
	_ =	swait.ge [sflag:s4], $0x0  }
0x19: {  	s7 =	sld [smem:$0x3F99]  }
0x1a: {  	s8 =	sadd.s32 $0xFFFFE003, lr  }
0x1b: {  	s9 =	sadd.s32 $0xFFFFFEF7, lr;
	s5 =	simm.s32 $0xFFFFFFFF;
	p2 =	slt.u32 s8, $0xFFFFF086  }
0x1c: {  	p1 =	slt.u32 s9, $0xF7A;
	s5 =	simm.s32 @!p2 $0x0  }
0x1d: {  	s5 =	simm.s32 @p1 $0x1;
	p0 =	seq.s32 s7, s2  }
0x1e: {  	s7 =	smul.u32 @!p0 $0xF7A, s2;
	p2 =	seq.s32 @!p0 s5, $0x0  }
0x1f: {  	s9 =	smul.u32 $0xF7A, s1;
	s8 =	simm.s32 @!p0 $0x1BF5;
	p2 =	por !p2, p0  }
0x20: {  	[sflag:s8] =	ssyncset.s32 @!p0 $0xFFFFF086;
	s6 =	sadd.s32 @!p0 s3, s7;
	s7 =	simm.s32 @!p0 $0x108  }
0x21: {  	s3 =	sadd.s32 s3, s9;
	s6 =	sadd.s32 @!p0 $0x88, s6;
	s7 =	simm.s32 @p2 $0x1082  }
0x22: {  	[simem:s7], [sflag:s8] =	dma.local @!p0 [hbm:s6], $0xF7A  }
0x23: {  	s9 =	sor.u32 $0xD0000000, s2;
	s6 =	simm.s32 $0x108;
	_ =	swait.ge @!p0 [sflag:s8], $0x0  }
0x24: {  	s3 =	sadd.s32 $0x88, s3;
	s6 =	simm.s32 @!p1 $0x1082;
	[sflag:s4] =	ssyncset.s32 $0xFFFFF086  }
0x25: {  	[simem:s6], [sflag:s4] =	dma.local [hbm:s3], $0xF7A  }
0x26: {  	[smem:$0x3F99] =	sst s1;
	(tag) =	ssettag s2;
	_ =	strace s9  }
0x27: {  	s1 =	sld [smem:$0x3FA9]  }
0x28: {  	s2 =	sld [smem:$0x3FAA]  }
0x29: {  	s4 =	sld [smem:$0x3FAC]  }
0x2a: {  	p0 =	seq.s32 s5, $0x0;
	s5 =	sld [smem:$0x3FAD]  }
0x2b: {  	s6 =	sld [smem:$0x3FAE]  }
0x2c: {  	s7 =	sld [smem:$0x3FAF]  }
0x2d: {  	s3 =	simm.s32 $0x108;
	s8 =	sld [smem:$0x3FB0]  }
0x2e: {  	s3 =	simm.s32 @!p0 $0x1082;
	s9 =	sld [smem:$0x3FB1]  }
0x2f: {  	lr =	sadd.s32 s0, s3;
	s0 =	sld [smem:$0x3FA8]  }
0x30: {  	s3 =	sld [smem:$0x3FAB]  }
0x31: {  	[smem:$0x3FB4] =	sst s10  }
0x32: {  	s10 =	sld [smem:$0x3FB2];
	_ =	sdelay $0x3  }
0x33: {  	p0 =	seq.s32 s10, $0x1;
	s10 =	sld [smem:$0x3FB4];
	_ =	sdelay $0x3  }
0x34: {  	[smem:$0x3FB4] =	sst s10  }
0x35: {  	s10 =	sld [smem:$0x3FB3];
	_ =	sdelay $0x3  }
0x36: {  	p1 =	seq.s32 s10, $0x1;
	s10 =	sld [smem:$0x3FB4];
	_ =	sdelay $0x3  }
0x37: {  	[smem:$0x3FB4] =	sst s10  }
0x38: {  	s10 =	sld [smem:$0x3FB5]  }
0x39: {  	_ = 	snop;
	(pc) =	sbr.ind lr, $3  }
0x3a: {  	_ = 	snop  }
0x3b: {  	_ = 	snop  }
0x3c: {  	p2 =	seq.s32 s10, $0x1;
	s10 =	sld [smem:$0x3FB4]  }
0x3d: {  	_ =	shalt  }
0x3e: {  	_ =	shalt  }
0x3f: {  	_ =	shalt  }
0x40: {  	_ =	shalt  }
0x41: {  	_ =	shalt  }
0x42: {  	_ =	shalt  }
0x43: {  	_ =	shalt  }
0x44: {  	_ =	shalt  }
0x45: {  	_ =	shalt  }
0x46: {  	_ =	shalt  }
0x47: {  	_ =	shalt  }
0x48: {  	_ =	shalt  }
0x49: {  	_ =	shalt  }
0x4a: {  	_ =	shalt  }
0x4b: {  	_ =	shalt  }
0x4c: {  	_ =	shalt  }
0x4d: {  	_ =	shalt  }
0x4e: {  	_ =	shalt  }
0x4f: {  	_ =	shalt  }
0x50: {  	_ =	shalt  }
0x51: {  	_ =	shalt  }
0x52: {  	_ =	shalt  }
0x53: {  	_ =	shalt  }
0x54: {  	_ =	shalt  }
0x55: {  	_ =	shalt  }
0x56: {  	_ =	shalt  }
0x57: {  	_ =	shalt  }
0x58: {  	_ =	shalt  }
0x59: {  	_ =	shalt  }
0x5a: {  	_ =	shalt  }
0x5b: {  	_ =	shalt  }
0x5c: {  	_ =	shalt  }
0x5d: {  	_ =	shalt  }
0x5e: {  	_ =	shalt  }
0x5f: {  	_ =	shalt  }
0x60: {  	_ =	shalt  }
0x61: {  	_ =	shalt  }
0x62: {  	_ =	shalt  }
0x63: {  	_ =	shalt  }
0x64: {  	_ =	shalt  }
0x65: {  	_ =	shalt  }
0x66: {  	_ =	shalt  }
0x67: {  	_ =	shalt  }
0x68: {  	_ =	shalt  }
0x69: {  	_ =	shalt  }
0x6a: {  	_ =	shalt  }
0x6b: {  	_ =	shalt  }
0x6c: {  	_ =	shalt  }
0x6d: {  	_ =	shalt  }
0x6e: {  	_ =	shalt  }
0x6f: {  	_ =	shalt  }
0x70: {  	_ =	shalt  }
0x71: {  	_ =	shalt  }
0x72: {  	_ =	shalt  }
0x73: {  	_ =	shalt  }
0x74: {  	_ =	shalt  }
0x75: {  	_ =	shalt  }
0x76: {  	_ =	shalt  }
0x77: {  	_ =	shalt  }
0x78: {  	_ =	shalt  }
0x79: {  	_ =	shalt  }
0x7a: {  	_ =	shalt  }
0x7b: {  	_ =	shalt  }
0x7c: {  	_ =	shalt  }
0x7d: {  	_ =	shalt  }
0x7e: {  	_ =	shalt  }
0x7f: {  	_ =	shalt  }
0x80: {  	_ =	shalt  }
0x81: {  	_ =	shalt  }
0x82: {  	_ =	shalt  }
0x83: {  	_ =	shalt  }
0x84: {  	_ =	shalt  }
0x85: {  	_ =	shalt  }
0x86: {  	_ =	shalt  }
0x87: {  	_ =	shalt  }
.Lfunc_end0:
.L_simem_size_0:
called_computation_lowered:
.L_overlay_start_0:
0x88: {  	s0 =	sld [smem:$0x3FD9]  }
0x89: {  	s1 =	sld [smem:$0x3FFE];
	_ =	sdelay $0x3  }
0x8a: {  	s0 =	sadd.s32 s1, s0  }
0x8b: {  	[smem:$0x3FC0] =	sst s0  }
0x8c: {  	_ = 	snop  }
0x8d: {  	s0 =	sld [smem:$0x3FD0];
	(tm) =	ssettm $0x1  }
0x8e: {  	s16 =	sld [smem:$0x3FFB];
	_ =	sdelay $0x3  }
0x8f: {  	_ =	strace s16  }
0x90: {  	s1 =	sld [smem:$0x3FFC];
	_ =	sdelay $0x3  }
0x91: {  	_ =	strace s1  }
0x92: {  	s1 =	sld [smem:$0x3FFD];
	_ =	sdelay $0x3  }
0x93: {  	_ =	strace s1  }
0x94: {  	_ =	strace $0x8FFFFFFF  }
0x95: {  	s17 =	sld [smem:$0x3FDB];
	_ =	sdelay $0x1  }
0x96: {  	s2 =	simm.s32 $_scs_section_size  }
0x97: {  	s3 =	simm.s32 $_size__tile_overlayer_lowered;
	s4 =	simm.s32 $_tile_overlayer_lowered  }
0x98: {  	s20 =	simm.s32 $0x1BFF;
	s19 =	sshll.u32 s4, $0x1;
	s1 =	sadd.s32 s2, s17  }
0x99: {  	s5 =	simm.s32 $0x0;
	s18 =	sshll.u32 s3, $0x1;
	s3 =	sadd.s32 s19, s1  }
0x9a: {  	[timem:s5], [sflag:s20] =	dma.local [hbm:s3], s18  }
0x9b: {  	_ =	swait.ge [sflag:s20], s18  }
0x9c: {  	s2 =	ssub.s32 $0x0, s18;
	[sflag:s20] =	ssyncset.done $0x0  }
0x9d: {  	[sflag:s20] =	ssyncadd.s32 s2;
	_ =	sdelay $0x1  }
0x9e: {  	s21 =	simm.s32 $0x1B8B  }
0x9f: {  	_ =	swait.ge [sflag:s21], $0x1  }
0xa0: {  	[sflag:s21] =	ssyncset.done $0x0  }
0xa1: {  	s23 =	simm.s32 $0x1B8E;
	s22 =	sld [smem:$0x3FFE];
	[sflag:s21] =	ssyncadd.s32 $0xFFFFFFFF  }
0xa2: {  	s24 =	simm.s32 $execute0_lowered;
	[smem:$0x3FD2] =	sst s23  }
0xa3: {  	s3 =	sshll.u32 s24, $0x1;
	_ =	strace $0x80000046;
	[dreg:$0x1] =	wrdreg $0xFFFFFFFF  }
0xa4: {  	s25 =	simm.s32 $_size_execute0_lowered;
	s1 =	sadd.s32 s1, s3;
	[dreg:$0x0] =	wrdreg $0x0  }
0xa5: {  	s3 =	sshll.u32 s25, $0x1;
	[dreg:$0x2] =	wrdreg s1  }
0xa6: {  	[dreg:$0x3] =	wrdreg s3  }
0xa7: {  	[dreg:$0x4] =	wrdreg $0xC0  }
0xa8: {  	_ =	task [dreg:s5], $0x5FFFF  }
0xa9: {  	[dreg:$0x1] =	wrdreg $0xFFFFFFFF  }
0xaa: {  	[dreg:$0x0] =	wrdreg $0x60  }
0xab: {  	[dreg:$0x2] =	wrdreg s22  }
0xac: {  	[dreg:$0x3] =	wrdreg s0  }
0xad: {  	[dreg:$0x4] =	wrdreg $0x9  }
0xae: {  	_ =	task.clear_ibuf [dreg:s5], $0x5FFFF;
	_ =	strace $0x90000046  }
0xaf: {  	s26 =	simm.s32 $0x9;
	_ =	strace $0x80000048  }
0xb0: {  	_ =	swait.ge [sflag:s26], $0x1  }
0xb1: {  	[sflag:s26] =	ssyncadd.s32 $0xFFFFFFFF  }
0xb2: {  	_ =	strace $0x90000048  }
0xb3: {  	_ =	sfence  }
0xb4: {  	s28 =	sld [smem:$0x0];
	_ =	sdelay $0x1  }
0xb5: {  	s29 =	srdreg.scid  }
0xb6: {  	s30 =	sshll.u32 s29, $0xD;
	s31 =	sshrl.u32 s29, $0x2  }
0xb7: {  	s2 =	sand.u32 $0x4000, s30;
	s1 =	sand.u32 $0x1, s29;
	s0 =	sadd.s32 s31, s28  }
0xb8: {  	s1 =	sor.u32 s2, s1;
	s0 =	sshll.u32 s0, $0x11  }
0xb9: {  	s0 =	sor.u32 s0, s1  }
0xba: {  	s0 =	sadd.s32 $0x8F2B, s0  }
0xbb: {  	[sflag:s0] =	ssyncadd.remote.s32 $0x1  }
0xbc: {  	_ =	sfence.sel $0xFFFF  }
0xbd: {  	[dreg:$0x0] =	wrdreg $0xFFFFFFFF;
	(pc) =	sbr.abs _section_cstart, $3  }
0xbe: {  	[dreg:$0x1] =	wrdreg $0xFFFFFFFF  }
0xbf: {  	_ =	task.clear_ibuf [dreg:s5], $0x2FFFF;
	_ =	strace $0x9FFFFFFF  }
0xc0: {  	(tm) =	ssettm $0x7FFFFFFF  }
0xc1: {  	_ =	shalt  }
tec
execute0_lowered:
.L_overlay_start_1:
0x0: {  	(tag) =	ssettag $0x1  }
0x1: {  	s5 =	rddreg [dreg:$0x0]  }
0x2: {  	s3 =	rddreg [dreg:$0x1]  }
0x3: {  	s0 =	rddreg [dreg:$0x2];
	s2 =	simm.s32 $0x0;
	s1 =	stileid.u32  }
0x4: {  	[smem:$0x7FF] =	sst s2;
	s4 =	sshll.u32 s1, $0x7  }
0x5: {  	_ =	strace $0x80000047;
	s6 =	sadd.s32 s4, s5;
	s5 =	sadd.s32 $0x2400, s5  }
0x6: {  	[tilespmem:s2], [sflag:$0x1] =	stream.linear.gather [hbm4b:s5+s2], $0xF00, $0x38;
	[tilespmem:$0x1700] =	vst v63  }
0x7: {  	s26 =	simm.s32 $0xF00;
	s28 =	simm.s32 $0x2;
	s25 =	sadd.s32 $0x1C00, s6  }
0x8: {  	[tilespmem:s26], [sflag:$0x2] =	stream.linear.gather [hbm4b:s25+s2], $0x400, $0x38;
	[tilespmem:$0x1700] =	vst v63  }
0x9: {  	_ =	swait.ge [sflag:s28], $0x400  }
0xa: {  	[sflag:s28] =	ssyncset.done $0x0  }
0xb: {  	s29 =	simm.s32 $0x1;
	[sflag:s28] =	ssyncadd.s32 $0xFFFFFC00  }
0xc: {  	_ =	swait.ge [sflag:s29], $0xF00  }
0xd: {  	[sflag:s29] =	ssyncset.done $0x0  }
0xe: {  	[sflag:s29] =	ssyncadd.s32 $0xFFFFF100  }
0xf: {  	v0 =	vld [tilespmem:$0xF00];
	_ =	sdelay $0x5  }
0x10: {  	v1 =	vld [tilespmem:$0xF10];
	_ =	sdelay $0x1  }
0x11: {  	v0 =	vld.idx.msk [tilespmem:v0+s2+$0x0], $0xffff;
	_ =	sdelay $0x3  }
0x12: {  	v2 =	vld [tilespmem:$0xF20]  }
0x13: {  	[tilespmem:$0x1300] =	vst v0  }
0x14: {  	v0 =	vld.idx.msk [tilespmem:v1+s2+$0x0], $0xffff;
	_ =	sdelay $0x3  }
0x15: {  	v63 =	vld [tilespmem:$0xF30]  }
0x16: {  	[tilespmem:$0x1310] =	vst v0  }
0x17: {  	v0 =	vld.idx.msk [tilespmem:v2+s2+$0x0], $0xffff;
	_ =	sdelay $0x3  }
0x18: {  	v4 =	vld [tilespmem:$0xF40]  }
0x19: {  	[tilespmem:$0x1320] =	vst v0  }
0x1a: {  	v0 =	vld.idx.msk [tilespmem:v63+s2+$0x0], $0xffff;
	_ =	sdelay $0x3  }
0x1b: {  	v5 =	vld [tilespmem:$0xF50]  }
0x1c: {  	[tilespmem:$0x1330] =	vst v0  }
0x1d: {  	v0 =	vld.idx.msk [tilespmem:v4+s2+$0x0], $0xffff;
	_ =	sdelay $0x3  }
0x1e: {  	v6 =	vld [tilespmem:$0xF60]  }
0x1f: {  	[tilespmem:$0x1340] =	vst v0  }
0x20: {  	v0 =	vld.idx.msk [tilespmem:v5+s2+$0x0], $0xffff;
	_ =	sdelay $0x3  }
0x21: {  	v7 =	vld [tilespmem:$0xF70]  }
0x22: {  	[tilespmem:$0x1350] =	vst v0  }
0x23: {  	v0 =	vld.idx.msk [tilespmem:v6+s2+$0x0], $0xffff;
	_ =	sdelay $0x3  }
0x24: {  	v8 =	vld [tilespmem:$0xF80]  }
0x25: {  	[tilespmem:$0x1360] =	vst v0  }
0x26: {  	v0 =	vld.idx.msk [tilespmem:v7+s2+$0x0], $0xffff;
	_ =	sdelay $0x3  }
0x27: {  	v9 =	vld [tilespmem:$0xF90]  }
0x28: {  	[tilespmem:$0x1370] =	vst v0  }
0x29: {  	v0 =	vld.idx.msk [tilespmem:v8+s2+$0x0], $0xffff;
	_ =	sdelay $0x3  }
0x2a: {  	v10 =	vld [tilespmem:$0xFA0]  }
0x2b: {  	[tilespmem:$0x1380] =	vst v0  }
0x2c: {  	v0 =	vld.idx.msk [tilespmem:v9+s2+$0x0], $0xffff;
	_ =	sdelay $0x3  }
0x2d: {  	v11 =	vld [tilespmem:$0xFB0]  }
0x2e: {  	[tilespmem:$0x1390] =	vst v0  }
0x2f: {  	v0 =	vld.idx.msk [tilespmem:v10+s2+$0x0], $0xffff;
	_ =	sdelay $0x3  }
0x30: {  	v12 =	vld [tilespmem:$0xFC0]  }
0x31: {  	[tilespmem:$0x13A0] =	vst v0  }
0x32: {  	v0 =	vld.idx.msk [tilespmem:v11+s2+$0x0], $0xffff;
	_ =	sdelay $0x3  }
0x33: {  	v13 =	vld [tilespmem:$0xFD0]  }
0x34: {  	[tilespmem:$0x13B0] =	vst v0  }
0x35: {  	v0 =	vld.idx.msk [tilespmem:v12+s2+$0x0], $0xffff;
	_ =	sdelay $0x3  }
0x36: {  	v14 =	vld [tilespmem:$0xFE0]  }
0x37: {  	[tilespmem:$0x13C0] =	vst v0  }
0x38: {  	v0 =	vld.idx.msk [tilespmem:v13+s2+$0x0], $0xffff;
	_ =	sdelay $0x3  }
0x39: {  	v15 =	vld [tilespmem:$0xFF0]  }
0x3a: {  	[tilespmem:$0x13D0] =	vst v0  }
0x3b: {  	v0 =	vld.idx.msk [tilespmem:v14+s2+$0x0], $0xffff;
	_ =	sdelay $0x3  }
0x3c: {  	v16 =	vld [tilespmem:$0x1000]  }
0x3d: {  	[tilespmem:$0x13E0] =	vst v0  }
0x3e: {  	v0 =	vld.idx.msk [tilespmem:v15+s2+$0x0], $0xffff;
	_ =	sdelay $0x3  }
0x3f: {  	v17 =	vld [tilespmem:$0x1010]  }
0x40: {  	[tilespmem:$0x13F0] =	vst v0  }
0x41: {  	v0 =	vld.idx.msk [tilespmem:v16+s2+$0x0], $0xffff;
	_ =	sdelay $0x3  }
0x42: {  	v18 =	vld [tilespmem:$0x1020]  }
0x43: {  	[tilespmem:$0x1400] =	vst v0  }
0x44: {  	v0 =	vld.idx.msk [tilespmem:v17+s2+$0x0], $0xffff;
	_ =	sdelay $0x3  }
0x45: {  	v19 =	vld [tilespmem:$0x1030]  }
0x46: {  	[tilespmem:$0x1410] =	vst v0  }
0x47: {  	v0 =	vld.idx.msk [tilespmem:v18+s2+$0x0], $0xffff;
	_ =	sdelay $0x3  }
0x48: {  	v20 =	vld [tilespmem:$0x1040]  }
0x49: {  	[tilespmem:$0x1420] =	vst v0  }
0x4a: {  	v0 =	vld.idx.msk [tilespmem:v19+s2+$0x0], $0xffff;
	_ =	sdelay $0x3  }
0x4b: {  	v21 =	vld [tilespmem:$0x1050]  }
0x4c: {  	[tilespmem:$0x1430] =	vst v0  }
0x4d: {  	v0 =	vld.idx.msk [tilespmem:v20+s2+$0x0], $0xffff;
	_ =	sdelay $0x3  }
0x4e: {  	v22 =	vld [tilespmem:$0x1060]  }
0x4f: {  	[tilespmem:$0x1440] =	vst v0  }
0x50: {  	v0 =	vld.idx.msk [tilespmem:v21+s2+$0x0], $0xffff;
	_ =	sdelay $0x3  }
0x51: {  	v23 =	vld [tilespmem:$0x1070]  }
0x52: {  	[tilespmem:$0x1450] =	vst v0  }
0x53: {  	v0 =	vld.idx.msk [tilespmem:v22+s2+$0x0], $0xffff;
	_ =	sdelay $0x3  }
0x54: {  	v24 =	vld [tilespmem:$0x1080]  }
0x55: {  	[tilespmem:$0x1460] =	vst v0  }
0x56: {  	v0 =	vld.idx.msk [tilespmem:v23+s2+$0x0], $0xffff;
	_ =	sdelay $0x3  }
0x57: {  	v25 =	vld [tilespmem:$0x1090]  }
0x58: {  	[tilespmem:$0x1470] =	vst v0  }
0x59: {  	v0 =	vld.idx.msk [tilespmem:v24+s2+$0x0], $0xffff;
	_ =	sdelay $0x3  }
0x5a: {  	v26 =	vld [tilespmem:$0x10A0]  }
0x5b: {  	[tilespmem:$0x1480] =	vst v0  }
0x5c: {  	v0 =	vld.idx.msk [tilespmem:v25+s2+$0x0], $0xffff;
	_ =	sdelay $0x3  }
0x5d: {  	v27 =	vld [tilespmem:$0x10B0]  }
0x5e: {  	[tilespmem:$0x1490] =	vst v0  }
0x5f: {  	v0 =	vld.idx.msk [tilespmem:v26+s2+$0x0], $0xffff;
	_ =	sdelay $0x3  }
0x60: {  	v28 =	vld [tilespmem:$0x10C0]  }
0x61: {  	[tilespmem:$0x14A0] =	vst v0  }
0x62: {  	v0 =	vld.idx.msk [tilespmem:v27+s2+$0x0], $0xffff;
	_ =	sdelay $0x3  }
0x63: {  	v29 =	vld [tilespmem:$0x10D0]  }
0x64: {  	[tilespmem:$0x14B0] =	vst v0  }
0x65: {  	v0 =	vld.idx.msk [tilespmem:v28+s2+$0x0], $0xffff;
	_ =	sdelay $0x3  }
0x66: {  	v30 =	vld [tilespmem:$0x10E0]  }
0x67: {  	[tilespmem:$0x14C0] =	vst v0  }
0x68: {  	v0 =	vld.idx.msk [tilespmem:v29+s2+$0x0], $0xffff;
	_ =	sdelay $0x3  }
0x69: {  	v31 =	vld [tilespmem:$0x10F0]  }
0x6a: {  	[tilespmem:$0x14D0] =	vst v0  }
0x6b: {  	v0 =	vld.idx.msk [tilespmem:v30+s2+$0x0], $0xffff;
	_ =	sdelay $0x3  }
0x6c: {  	v32 =	vld [tilespmem:$0x1100]  }
0x6d: {  	[tilespmem:$0x14E0] =	vst v0  }
0x6e: {  	v0 =	vld.idx.msk [tilespmem:v31+s2+$0x0], $0xffff;
	_ =	sdelay $0x3  }
0x6f: {  	v33 =	vld [tilespmem:$0x1110]  }
0x70: {  	[tilespmem:$0x14F0] =	vst v0  }
0x71: {  	v0 =	vld.idx.msk [tilespmem:v32+s2+$0x0], $0xffff;
	_ =	sdelay $0x3  }
0x72: {  	v34 =	vld [tilespmem:$0x1120]  }
0x73: {  	[tilespmem:$0x1500] =	vst v0  }
0x74: {  	v0 =	vld.idx.msk [tilespmem:v33+s2+$0x0], $0xffff;
	_ =	sdelay $0x3  }
0x75: {  	v35 =	vld [tilespmem:$0x1130]  }
0x76: {  	[tilespmem:$0x1510] =	vst v0  }
0x77: {  	v0 =	vld.idx.msk [tilespmem:v34+s2+$0x0], $0xffff;
	_ =	sdelay $0x3  }
0x78: {  	v36 =	vld [tilespmem:$0x1140]  }
0x79: {  	[tilespmem:$0x1520] =	vst v0  }
0x7a: {  	v0 =	vld.idx.msk [tilespmem:v35+s2+$0x0], $0xffff;
	_ =	sdelay $0x3  }
0x7b: {  	v37 =	vld [tilespmem:$0x1150]  }
0x7c: {  	[tilespmem:$0x1530] =	vst v0  }
0x7d: {  	v0 =	vld.idx.msk [tilespmem:v36+s2+$0x0], $0xffff;
	_ =	sdelay $0x3  }
0x7e: {  	v38 =	vld [tilespmem:$0x1160]  }
0x7f: {  	[tilespmem:$0x1540] =	vst v0  }
0x80: {  	v0 =	vld.idx.msk [tilespmem:v37+s2+$0x0], $0xffff;
	_ =	sdelay $0x3  }
0x81: {  	v39 =	vld [tilespmem:$0x1170]  }
0x82: {  	[tilespmem:$0x1550] =	vst v0  }
0x83: {  	v0 =	vld.idx.msk [tilespmem:v38+s2+$0x0], $0xffff;
	_ =	sdelay $0x3  }
0x84: {  	v40 =	vld [tilespmem:$0x1180]  }
0x85: {  	[tilespmem:$0x1560] =	vst v0  }
0x86: {  	v0 =	vld.idx.msk [tilespmem:v39+s2+$0x0], $0xffff;
	_ =	sdelay $0x3  }
0x87: {  	v41 =	vld [tilespmem:$0x1190]  }
0x88: {  	[tilespmem:$0x1570] =	vst v0  }
0x89: {  	v0 =	vld.idx.msk [tilespmem:v40+s2+$0x0], $0xffff;
	_ =	sdelay $0x3  }
0x8a: {  	v42 =	vld [tilespmem:$0x11A0]  }
0x8b: {  	[tilespmem:$0x1580] =	vst v0  }
0x8c: {  	v0 =	vld.idx.msk [tilespmem:v41+s2+$0x0], $0xffff;
	_ =	sdelay $0x3  }
0x8d: {  	v43 =	vld [tilespmem:$0x11B0]  }
0x8e: {  	[tilespmem:$0x1590] =	vst v0  }
0x8f: {  	v0 =	vld.idx.msk [tilespmem:v42+s2+$0x0], $0xffff;
	_ =	sdelay $0x3  }
0x90: {  	v44 =	vld [tilespmem:$0x11C0]  }
0x91: {  	[tilespmem:$0x15A0] =	vst v0  }
0x92: {  	v0 =	vld.idx.msk [tilespmem:v43+s2+$0x0], $0xffff;
	_ =	sdelay $0x3  }
0x93: {  	v45 =	vld [tilespmem:$0x11D0]  }
0x94: {  	[tilespmem:$0x15B0] =	vst v0  }
0x95: {  	v0 =	vld.idx.msk [tilespmem:v44+s2+$0x0], $0xffff;
	_ =	sdelay $0x3  }
0x96: {  	v46 =	vld [tilespmem:$0x11E0]  }
0x97: {  	[tilespmem:$0x15C0] =	vst v0  }
0x98: {  	v0 =	vld.idx.msk [tilespmem:v45+s2+$0x0], $0xffff;
	_ =	sdelay $0x3  }
0x99: {  	v47 =	vld [tilespmem:$0x11F0]  }
0x9a: {  	[tilespmem:$0x15D0] =	vst v0  }
0x9b: {  	v0 =	vld.idx.msk [tilespmem:v46+s2+$0x0], $0xffff;
	_ =	sdelay $0x3  }
0x9c: {  	v48 =	vld [tilespmem:$0x1200]  }
0x9d: {  	[tilespmem:$0x15E0] =	vst v0  }
0x9e: {  	v0 =	vld.idx.msk [tilespmem:v47+s2+$0x0], $0xffff;
	_ =	sdelay $0x3  }
0x9f: {  	v49 =	vld [tilespmem:$0x1210]  }
0xa0: {  	[tilespmem:$0x15F0] =	vst v0  }
0xa1: {  	v0 =	vld.idx.msk [tilespmem:v48+s2+$0x0], $0xffff;
	_ =	sdelay $0x3  }
0xa2: {  	v50 =	vld [tilespmem:$0x1220]  }
0xa3: {  	[tilespmem:$0x1600] =	vst v0  }
0xa4: {  	v0 =	vld.idx.msk [tilespmem:v49+s2+$0x0], $0xffff;
	_ =	sdelay $0x3  }
0xa5: {  	v51 =	vld [tilespmem:$0x1230]  }
0xa6: {  	[tilespmem:$0x1610] =	vst v0  }
0xa7: {  	v0 =	vld.idx.msk [tilespmem:v50+s2+$0x0], $0xffff;
	_ =	sdelay $0x3  }
0xa8: {  	v52 =	vld [tilespmem:$0x1240]  }
0xa9: {  	[tilespmem:$0x1620] =	vst v0  }
0xaa: {  	v0 =	vld.idx.msk [tilespmem:v51+s2+$0x0], $0xffff;
	_ =	sdelay $0x3  }
0xab: {  	v53 =	vld [tilespmem:$0x1250]  }
0xac: {  	[tilespmem:$0x1630] =	vst v0  }
0xad: {  	v0 =	vld.idx.msk [tilespmem:v52+s2+$0x0], $0xffff;
	_ =	sdelay $0x3  }
0xae: {  	v54 =	vld [tilespmem:$0x1260]  }
0xaf: {  	[tilespmem:$0x1640] =	vst v0  }
0xb0: {  	v0 =	vld.idx.msk [tilespmem:v53+s2+$0x0], $0xffff;
	_ =	sdelay $0x3  }
0xb1: {  	v55 =	vld [tilespmem:$0x1270]  }
0xb2: {  	[tilespmem:$0x1650] =	vst v0  }
0xb3: {  	v0 =	vld.idx.msk [tilespmem:v54+s2+$0x0], $0xffff;
	_ =	sdelay $0x3  }
0xb4: {  	v56 =	vld [tilespmem:$0x1280]  }
0xb5: {  	[tilespmem:$0x1660] =	vst v0  }
0xb6: {  	v0 =	vld.idx.msk [tilespmem:v55+s2+$0x0], $0xffff;
	_ =	sdelay $0x3  }
0xb7: {  	v57 =	vld [tilespmem:$0x1290]  }
0xb8: {  	[tilespmem:$0x1670] =	vst v0  }
0xb9: {  	v0 =	vld.idx.msk [tilespmem:v56+s2+$0x0], $0xffff;
	_ =	sdelay $0x3  }
0xba: {  	v58 =	vld [tilespmem:$0x12A0]  }
0xbb: {  	[tilespmem:$0x1680] =	vst v0  }
0xbc: {  	v0 =	vld.idx.msk [tilespmem:v57+s2+$0x0], $0xffff;
	_ =	sdelay $0x3  }
0xbd: {  	v59 =	vld [tilespmem:$0x12B0]  }
0xbe: {  	[tilespmem:$0x1690] =	vst v0  }
0xbf: {  	v0 =	vld.idx.msk [tilespmem:v58+s2+$0x0], $0xffff;
	_ =	sdelay $0x3  }
0xc0: {  	v60 =	vld [tilespmem:$0x12C0]  }
0xc1: {  	[tilespmem:$0x16A0] =	vst v0  }
0xc2: {  	v0 =	vld.idx.msk [tilespmem:v59+s2+$0x0], $0xffff;
	_ =	sdelay $0x3  }
0xc3: {  	v61 =	vld [tilespmem:$0x12D0]  }
0xc4: {  	[tilespmem:$0x16B0] =	vst v0  }
0xc5: {  	v0 =	vld.idx.msk [tilespmem:v60+s2+$0x0], $0xffff;
	_ =	sdelay $0x3  }
0xc6: {  	v62 =	vld [tilespmem:$0x12E0]  }
0xc7: {  	[tilespmem:$0x16C0] =	vst v0  }
0xc8: {  	v0 =	vld.idx.msk [tilespmem:v61+s2+$0x0], $0xffff;
	_ =	sdelay $0x3  }
0xc9: {  	v63 =	vld [tilespmem:$0x12F0]  }
0xca: {  	[tilespmem:$0x16D0] =	vst v0  }
0xcb: {  	v0 =	vld.idx.msk [tilespmem:v62+s2+$0x0], $0xffff;
	_ =	sdelay $0x4  }
0xcc: {  	[tilespmem:$0x16E0] =	vst v0  }
0xcd: {  	v0 =	vld.idx.msk [tilespmem:v63+s2+$0x0], $0xffff;
	_ =	sdelay $0x4  }
0xce: {  	s30 =	simm.s32 $0x1300;
	s31 =	simm.s32 $0x3;
	s3 =	sadd.s32 s3, s4;
	[tilespmem:$0x16F0] =	vst v0  }
0xcf: {  	[hbm4b:s3+s2] =	stream.linear.scatter [tilespmem:s30], [sflag:$0x3], $0x400, $0x38;
	[tilespmem:$0x1700] =	vst v63  }
0xd0: {  	_ =	swait.ge [sflag:s31], $0x400  }
0xd1: {  	[sflag:s31] =	ssyncset.done $0x0  }
0xd2: {  	[sflag:s31] =	ssyncadd.s32 $0xFFFFFC00  }
0xd3: {  	_ =	sfence.sel $0x180000  }
0xd4: {  	[bflag:$0x0] =	sbarrier.arrive $0xFFFF  }
0xd5: {  	p0 =	sne.s32 s1, $0x0;
	_ =	strace $0x90000047  }
0xd6: {  	s0 =	sadd.s32 @!p0 $0x100000, s0;
	[bflag:$0x2] =	sbarrier.arrive $0xFFFF  }
0xd7: {  	[sflag:s0] =	ssyncadd.tile.s32 @!p0 $0x1;
	_ =	shalt  }
.Lfunc_end2:
_tile_overlayer_lowered:
.L_overlay_start_2:
0xd8: {  	(tag) =	ssettag $0x2  }
0xd9: {  	s0 =	rddreg [dreg:$0x0];
	s2 =	stileid.u32  }
0xda: {  	s1 =	rddreg [dreg:$0x1];
	p0 =	sne.s32 s2, $0x0  }
0xdb: {  	s3 =	rddreg [dreg:$0x2];
	[bflag:$0x3] =	sbarrier.arrive $0xFFFF;
	s2 =	simm.s32 @!p0 $0x1C03  }
0xdc: {  	[timem:s3], [sflag:s2] =	dma.local @!p0 [hbm:s0], s1  }
0xdd: {  	s0 =	simm.s32 @!p0 $0x3  }
0xde: {  	_ =	swait.ge @!p0 [sflag:s0], s1  }
0xdf: {  	s1 =	ssub.s32 @!p0 $0x0, s1;
	[sflag:s0] =	ssyncset.done @!p0 $0x0  }
0xe0: {  	[sflag:s0] =	ssyncadd.s32 @!p0 s1  }
0xe1: {  	[bflag:$0x3] =	sbarrier.arrive $0xFFFF  }
0xe2: {  	_ =	shalt  }

</sc_bundles>
